<compile_context>
chip_gen: v7x
topology: tpu7x:2x2x1
jax: 0.10.2.dev20260603
libtpu: 0.0.44.dev20260713+nightly
codegen_flags: <defaults>
</compile_context>

<pallas_src>
import functools

import jax
import jax.numpy as jnp
from jax import lax
from jax.experimental import pallas as pl
from jax.experimental.pallas import tpu as pltpu
from jax.experimental.pallas import tpu_sc as plsc

N_SHIFT = 128
RG = 8
NBUF = 2


def kernel(x):
    B, R, T = x.shape
    rows = B * R
    body = T - N_SHIFT
    n_workers = 32
    rows_per_w = rows // n_workers
    n_chunks = rows_per_w // RG

    mesh = plsc.VectorSubcoreMesh(core_axis_name="c", subcore_axis_name="s")

    @functools.partial(
        pl.kernel,
        mesh=mesh,
        out_type=jax.ShapeDtypeStruct((rows, T), jnp.float32),
        scratch_types=(
            [pltpu.VMEM_SHARED((16, NBUF, RG, T), jnp.float32)]
            + [pltpu.SemaphoreType.DMA for _ in range(2 * NBUF)]
        ),
    )
    def sc_shift(x_hbm, out_hbm, shared, *sems):
        rsem = sems[:NBUF]
        wsem = sems[NBUF:]
        c = lax.axis_index("c")
        s = lax.axis_index("s")
        wid = c * 16 + s
        row0 = wid * rows_per_w
        read_h = {}
        write_h = {}

        def issue_read(ci):
            b = ci % NBUF
            r = pl.ds(row0 + ci * RG, RG)
            h1 = pltpu.async_copy(
                x_hbm.at[r, pl.ds(0, body)],
                shared.at[s, b, :, pl.ds(N_SHIFT, body)],
                rsem[b],
            )
            h2 = pltpu.async_copy(
                x_hbm.at[r, pl.ds(body, N_SHIFT)],
                shared.at[s, b, :, pl.ds(0, N_SHIFT)],
                rsem[b],
            )
            read_h[ci] = (h1, h2)

        def issue_write(ci):
            b = ci % NBUF
            r = pl.ds(row0 + ci * RG, RG)
            write_h[ci] = pltpu.async_copy(
                shared.at[s, b], out_hbm.at[r, :], wsem[b]
            )

        for ci in range(min(NBUF - 1, n_chunks)):
            issue_read(ci)
        for ci in range(n_chunks):
            for h in read_h.pop(ci):
                h.wait()
            issue_write(ci)
            nxt = ci + NBUF - 1
            if nxt < n_chunks:
                if ci >= 1:
                    write_h.pop(ci - 1).wait()
                issue_read(nxt)
        for ci in sorted(write_h):
            write_h.pop(ci).wait()

    out = sc_shift(x.reshape(rows, T))
    return out.reshape(B, R, T)

# --- scband reference (transcript-rebuilt; emitter-appended) ---
"""Pipeline reference for scband-translation1-d-55851754717257 (READ-ONLY COPY).

The authoritative reference and input builder live on the scoring server;
editing this copy changes nothing except your own understanding.
"""

import jax, jax.numpy as jnp
import numpy as np

N_STEPS = 128

def setup_inputs(seed: int = 0) -> dict:
    key = jax.random.key(seed)
    x = jax.random.normal(key, (4, 1024, 8192), dtype=jnp.float32)
    return {"x": x}

def reference(x):
    T = x.shape[-1]
    perm_ids = jnp.arange(0, T)
    perm_ids = perm_ids - N_STEPS
    perm_ids = perm_ids % T
    return x[:, :, perm_ids]

if __name__ == "__main__":
    import jax
    _d = setup_inputs()
    print(jax.jit(kernel)(*tuple(_d.values())))

</pallas_src>

<mosaic_0001>
#map = affine_map<(d0, d1) -> (0, 0)>
module attributes {stable_mosaic.version = 14 : i64} {
  func.func @sc_shift(%arg0: i32, %arg1: i32, %arg2: memref<4096x8192xf32, #tpu.memory_space<hbm>>, %arg3: memref<4096x8192xf32, #tpu.memory_space<hbm>>, %arg4: memref<16x2x8x8192xf32, #tpu.memory_space<vmem_shared>>, %arg5: memref<!tpu.dma_semaphore, #tpu.memory_space<semaphore_mem>>, %arg6: memref<!tpu.dma_semaphore, #tpu.memory_space<semaphore_mem>>, %arg7: memref<!tpu.dma_semaphore, #tpu.memory_space<semaphore_mem>>, %arg8: memref<!tpu.dma_semaphore, #tpu.memory_space<semaphore_mem>>) attributes {dimension_semantics = [#tpu.dimension_semantics<core_parallel>, #tpu.dimension_semantics<subcore_parallel>], iteration_bounds = array<i64: 2, 16>, scalar_prefetch = 0 : i64, scratch_operands = 5 : i64, tpu.core_type = #tpu.core_type<sc_vector_subcore>, window_params = [{transform_indices = #map}, {transform_indices = #map}]} {
    %mul3A = arith.constant 16 : i32
    %mul3A_0 = arith.muli %arg0, %mul3A : i32
    %add3A = arith.addi %mul3A_0, %arg1 : i32
    %mul3A_1 = arith.constant 128 : i32
    %mul3A_2 = arith.muli %add3A, %mul3A_1 : i32
    %add3A_3 = arith.constant 0 : i32
    %add3A_4 = arith.addi %mul3A_2, %add3A_3 : i32
    %dma_start3A = arith.constant 0 : i32
    %dma_start3A_5 = arith.constant 0 : i32
    %dma_start3A_6 = arith.constant 128 : i32
    %dma_start3A_7 = tpu.memref_slice %arg4[%arg1, %dma_start3A, %dma_start3A_5, %dma_start3A_6] : memref<16x2x8x8192xf32, #tpu.memory_space<vmem_shared>> -> memref<1x1x8x8064xf32, #tpu.memory_space<vmem_shared>>
    %dma_start3A_8 = tpu.memref_squeeze %dma_start3A_7 : memref<1x1x8x8064xf32, #tpu.memory_space<vmem_shared>> -> memref<8x8064xf32, #tpu.memory_space<vmem_shared>>
    %dma_start3A_9 = arith.constant 0 : i32
    %dma_start3A_10 = tpu.memref_slice %arg2[%add3A_4, %dma_start3A_9] : memref<4096x8192xf32, #tpu.memory_space<hbm>> -> memref<8x8064xf32, #tpu.memory_space<hbm>>
    tpu.enqueue_dma source(%dma_start3A_10 : memref<8x8064xf32, #tpu.memory_space<hbm>>) target(%dma_start3A_8 : memref<8x8064xf32, #tpu.memory_space<vmem_shared>>) target_semaphore(%arg5 : memref<!tpu.dma_semaphore, #tpu.memory_space<semaphore_mem>>)
    %dma_start3A_11 = arith.constant 0 : i32
    %dma_start3A_12 = arith.constant 0 : i32
    %dma_start3A_13 = arith.constant 0 : i32
    %dma_start3A_14 = tpu.memref_slice %arg4[%arg1, %dma_start3A_11, %dma_start3A_12, %dma_start3A_13] : memref<16x2x8x8192xf32, #tpu.memory_space<vmem_shared>> -> memref<1x1x8x128xf32, #tpu.memory_space<vmem_shared>>
    %dma_start3A_15 = tpu.memref_squeeze %dma_start3A_14 : memref<1x1x8x128xf32, #tpu.memory_space<vmem_shared>> -> memref<8x128xf32, #tpu.memory_space<vmem_shared>>
    %dma_start3A_16 = arith.constant 8064 : i32
    %dma_start3A_17 = tpu.memref_slice %arg2[%add3A_4, %dma_start3A_16] : memref<4096x8192xf32, #tpu.memory_space<hbm>> -> memref<8x128xf32, #tpu.memory_space<hbm>>
    tpu.enqueue_dma source(%dma_start3A_17 : memref<8x128xf32, #tpu.memory_space<hbm>>) target(%dma_start3A_15 : memref<8x128xf32, #tpu.memory_space<vmem_shared>>) target_semaphore(%arg5 : memref<!tpu.dma_semaphore, #tpu.memory_space<semaphore_mem>>)
    %dma_wait3A = arith.constant 0 : i32
    %dma_wait3A_18 = arith.constant 0 : i32
    %dma_wait3A_19 = arith.constant 128 : i32
    %dma_wait3A_20 = tpu.memref_slice %arg4[%arg1, %dma_wait3A, %dma_wait3A_18, %dma_wait3A_19] : memref<16x2x8x8192xf32, #tpu.memory_space<vmem_shared>> -> memref<1x1x8x8064xf32, #tpu.memory_space<vmem_shared>>
    %dma_wait3A_21 = tpu.memref_squeeze %dma_wait3A_20 : memref<1x1x8x8064xf32, #tpu.memory_space<vmem_shared>> -> memref<8x8064xf32, #tpu.memory_space<vmem_shared>>
    %dma_wait3A_22 = arith.constant 0 : i32
    %dma_wait3A_23 = tpu.memref_slice %arg2[%add3A_4, %dma_wait3A_22] : memref<4096x8192xf32, #tpu.memory_space<hbm>> -> memref<8x8064xf32, #tpu.memory_space<hbm>>
    tpu.wait_dma2 semaphore(%arg5 : memref<!tpu.dma_semaphore, #tpu.memory_space<semaphore_mem>>) src(%dma_wait3A_23 : memref<8x8064xf32, #tpu.memory_space<hbm>>) dst(%dma_wait3A_21 : memref<8x8064xf32, #tpu.memory_space<vmem_shared>>)
    %dma_wait3A_24 = arith.constant 0 : i32
    %dma_wait3A_25 = arith.constant 0 : i32
    %dma_wait3A_26 = arith.constant 0 : i32
    %dma_wait3A_27 = tpu.memref_slice %arg4[%arg1, %dma_wait3A_24, %dma_wait3A_25, %dma_wait3A_26] : memref<16x2x8x8192xf32, #tpu.memory_space<vmem_shared>> -> memref<1x1x8x128xf32, #tpu.memory_space<vmem_shared>>
    %dma_wait3A_28 = tpu.memref_squeeze %dma_wait3A_27 : memref<1x1x8x128xf32, #tpu.memory_space<vmem_shared>> -> memref<8x128xf32, #tpu.memory_space<vmem_shared>>
    %dma_wait3A_29 = arith.constant 8064 : i32
    %dma_wait3A_30 = tpu.memref_slice %arg2[%add3A_4, %dma_wait3A_29] : memref<4096x8192xf32, #tpu.memory_space<hbm>> -> memref<8x128xf32, #tpu.memory_space<hbm>>
    tpu.wait_dma2 semaphore(%arg5 : memref<!tpu.dma_semaphore, #tpu.memory_space<semaphore_mem>>) src(%dma_wait3A_30 : memref<8x128xf32, #tpu.memory_space<hbm>>) dst(%dma_wait3A_28 : memref<8x128xf32, #tpu.memory_space<vmem_shared>>)
    %add3A_31 = arith.constant 0 : i32
    %add3A_32 = arith.addi %mul3A_2, %add3A_31 : i32
    %dma_start3A_33 = arith.constant 0 : i32
    %dma_start3A_34 = arith.constant 0 : i32
    %dma_start3A_35 = tpu.memref_slice %arg3[%add3A_32, %dma_start3A_34] : memref<4096x8192xf32, #tpu.memory_space<hbm>> -> memref<8x8192xf32, #tpu.memory_space<hbm>>
    %dma_start3A_36 = arith.constant 0 : i32
    %dma_start3A_37 = arith.constant 0 : i32
    %dma_start3A_38 = tpu.memref_slice %arg4[%arg1, %dma_start3A_33, %dma_start3A_36, %dma_start3A_37] : memref<16x2x8x8192xf32, #tpu.memory_space<vmem_shared>> -> memref<1x1x8x8192xf32, #tpu.memory_space<vmem_shared>>
    %dma_start3A_39 = tpu.memref_squeeze %dma_start3A_38 : memref<1x1x8x8192xf32, #tpu.memory_space<vmem_shared>> -> memref<8x8192xf32, #tpu.memory_space<vmem_shared>>
    tpu.enqueue_dma source(%dma_start3A_39 : memref<8x8192xf32, #tpu.memory_space<vmem_shared>>) target(%dma_start3A_35 : memref<8x8192xf32, #tpu.memory_space<hbm>>) target_semaphore(%arg7 : memref<!tpu.dma_semaphore, #tpu.memory_space<semaphore_mem>>)
    %add3A_40 = arith.constant 8 : i32
    %add3A_41 = arith.addi %mul3A_2, %add3A_40 : i32
    %dma_start3A_42 = arith.constant 1 : i32
    %dma_start3A_43 = arith.constant 0 : i32
    %dma_start3A_44 = arith.constant 128 : i32
    %dma_start3A_45 = tpu.memref_slice %arg4[%arg1, %dma_start3A_42, %dma_start3A_43, %dma_start3A_44] : memref<16x2x8x8192xf32, #tpu.memory_space<vmem_shared>> -> memref<1x1x8x8064xf32, #tpu.memory_space<vmem_shared>>
    %dma_start3A_46 = tpu.memref_squeeze %dma_start3A_45 : memref<1x1x8x8064xf32, #tpu.memory_space<vmem_shared>> -> memref<8x8064xf32, #tpu.memory_space<vmem_shared>>
    %dma_start3A_47 = arith.constant 0 : i32
    %dma_start3A_48 = tpu.memref_slice %arg2[%add3A_41, %dma_start3A_47] : memref<4096x8192xf32, #tpu.memory_space<hbm>> -> memref<8x8064xf32, #tpu.memory_space<hbm>>
    tpu.enqueue_dma source(%dma_start3A_48 : memref<8x8064xf32, #tpu.memory_space<hbm>>) target(%dma_start3A_46 : memref<8x8064xf32, #tpu.memory_space<vmem_shared>>) target_semaphore(%arg6 : memref<!tpu.dma_semaphore, #tpu.memory_space<semaphore_mem>>)
    %dma_start3A_49 = arith.constant 1 : i32
    %dma_start3A_50 = arith.constant 0 : i32
    %dma_start3A_51 = arith.constant 0 : i32
    %dma_start3A_52 = tpu.memref_slice %arg4[%arg1, %dma_start3A_49, %dma_start3A_50, %dma_start3A_51] : memref<16x2x8x8192xf32, #tpu.memory_space<vmem_shared>> -> memref<1x1x8x128xf32, #tpu.memory_space<vmem_shared>>
    %dma_start3A_53 = tpu.memref_squeeze %dma_start3A_52 : memref<1x1x8x128xf32, #tpu.memory_space<vmem_shared>> -> memref<8x128xf32, #tpu.memory_space<vmem_shared>>
    %dma_start3A_54 = arith.constant 8064 : i32
    %dma_start3A_55 = tpu.memref_slice %arg2[%add3A_41, %dma_start3A_54] : memref<4096x8192xf32, #tpu.memory_space<hbm>> -> memref<8x128xf32, #tpu.memory_space<hbm>>
    tpu.enqueue_dma source(%dma_start3A_55 : memref<8x128xf32, #tpu.memory_space<hbm>>) target(%dma_start3A_53 : memref<8x128xf32, #tpu.memory_space<vmem_shared>>) target_semaphore(%arg6 : memref<!tpu.dma_semaphore, #tpu.memory_space<semaphore_mem>>)
    %dma_wait3A_56 = arith.constant 1 : i32
    %dma_wait3A_57 = arith.constant 0 : i32
    %dma_wait3A_58 = arith.constant 128 : i32
    %dma_wait3A_59 = tpu.memref_slice %arg4[%arg1, %dma_wait3A_56, %dma_wait3A_57, %dma_wait3A_58] : memref<16x2x8x8192xf32, #tpu.memory_space<vmem_shared>> -> memref<1x1x8x8064xf32, #tpu.memory_space<vmem_shared>>
    %dma_wait3A_60 = tpu.memref_squeeze %dma_wait3A_59 : memref<1x1x8x8064xf32, #tpu.memory_space<vmem_shared>> -> memref<8x8064xf32, #tpu.memory_space<vmem_shared>>
    %dma_wait3A_61 = arith.constant 0 : i32
    %dma_wait3A_62 = tpu.memref_slice %arg2[%add3A_41, %dma_wait3A_61] : memref<4096x8192xf32, #tpu.memory_space<hbm>> -> memref<8x8064xf32, #tpu.memory_space<hbm>>
    tpu.wait_dma2 semaphore(%arg6 : memref<!tpu.dma_semaphore, #tpu.memory_space<semaphore_mem>>) src(%dma_wait3A_62 : memref<8x8064xf32, #tpu.memory_space<hbm>>) dst(%dma_wait3A_60 : memref<8x8064xf32, #tpu.memory_space<vmem_shared>>)
    %dma_wait3A_63 = arith.constant 1 : i32
    %dma_wait3A_64 = arith.constant 0 : i32
    %dma_wait3A_65 = arith.constant 0 : i32
    %dma_wait3A_66 = tpu.memref_slice %arg4[%arg1, %dma_wait3A_63, %dma_wait3A_64, %dma_wait3A_65] : memref<16x2x8x8192xf32, #tpu.memory_space<vmem_shared>> -> memref<1x1x8x128xf32, #tpu.memory_space<vmem_shared>>
    %dma_wait3A_67 = tpu.memref_squeeze %dma_wait3A_66 : memref<1x1x8x128xf32, #tpu.memory_space<vmem_shared>> -> memref<8x128xf32, #tpu.memory_space<vmem_shared>>
    %dma_wait3A_68 = arith.constant 8064 : i32
    %dma_wait3A_69 = tpu.memref_slice %arg2[%add3A_41, %dma_wait3A_68] : memref<4096x8192xf32, #tpu.memory_space<hbm>> -> memref<8x128xf32, #tpu.memory_space<hbm>>
    tpu.wait_dma2 semaphore(%arg6 : memref<!tpu.dma_semaphore, #tpu.memory_space<semaphore_mem>>) src(%dma_wait3A_69 : memref<8x128xf32, #tpu.memory_space<hbm>>) dst(%dma_wait3A_67 : memref<8x128xf32, #tpu.memory_space<vmem_shared>>)
    %add3A_70 = arith.constant 8 : i32
    %add3A_71 = arith.addi %mul3A_2, %add3A_70 : i32
    %dma_start3A_72 = arith.constant 1 : i32
    %dma_start3A_73 = arith.constant 0 : i32
    %dma_start3A_74 = tpu.memref_slice %arg3[%add3A_71, %dma_start3A_73] : memref<4096x8192xf32, #tpu.memory_space<hbm>> -> memref<8x8192xf32, #tpu.memory_space<hbm>>
    %dma_start3A_75 = arith.constant 0 : i32
    %dma_start3A_76 = arith.constant 0 : i32
    %dma_start3A_77 = tpu.memref_slice %arg4[%arg1, %dma_start3A_72, %dma_start3A_75, %dma_start3A_76] : memref<16x2x8x8192xf32, #tpu.memory_space<vmem_shared>> -> memref<1x1x8x8192xf32, #tpu.memory_space<vmem_shared>>
    %dma_start3A_78 = tpu.memref_squeeze %dma_start3A_77 : memref<1x1x8x8192xf32, #tpu.memory_space<vmem_shared>> -> memref<8x8192xf32, #tpu.memory_space<vmem_shared>>
    tpu.enqueue_dma source(%dma_start3A_78 : memref<8x8192xf32, #tpu.memory_space<vmem_shared>>) target(%dma_start3A_74 : memref<8x8192xf32, #tpu.memory_space<hbm>>) target_semaphore(%arg8 : memref<!tpu.dma_semaphore, #tpu.memory_space<semaphore_mem>>)
    %dma_wait3A_79 = arith.constant 0 : i32
    %dma_wait3A_80 = arith.constant 0 : i32
    %dma_wait3A_81 = tpu.memref_slice %arg3[%add3A_32, %dma_wait3A_80] : memref<4096x8192xf32, #tpu.memory_space<hbm>> -> memref<8x8192xf32, #tpu.memory_space<hbm>>
    %dma_wait3A_82 = arith.constant 0 : i32
    %dma_wait3A_83 = arith.constant 0 : i32
    %dma_wait3A_84 = tpu.memref_slice %arg4[%arg1, %dma_wait3A_79, %dma_wait3A_82, %dma_wait3A_83] : memref<16x2x8x8192xf32, #tpu.memory_space<vmem_shared>> -> memref<1x1x8x8192xf32, #tpu.memory_space<vmem_shared>>
    %dma_wait3A_85 = tpu.memref_squeeze %dma_wait3A_84 : memref<1x1x8x8192xf32, #tpu.memory_space<vmem_shared>> -> memref<8x8192xf32, #tpu.memory_space<vmem_shared>>
    tpu.wait_dma2 semaphore(%arg7 : memref<!tpu.dma_semaphore, #tpu.memory_space<semaphore_mem>>) src(%dma_wait3A_85 : memref<8x8192xf32, #tpu.memory_space<vmem_shared>>) dst(%dma_wait3A_81 : memref<8x8192xf32, #tpu.memory_space<hbm>>)
    %add3A_86 = arith.constant 16 : i32
    %add3A_87 = arith.addi %mul3A_2, %add3A_86 : i32
    %dma_start3A_88 = arith.constant 0 : i32
    %dma_start3A_89 = arith.constant 0 : i32
    %dma_start3A_90 = arith.constant 128 : i32
    %dma_start3A_91 = tpu.memref_slice %arg4[%arg1, %dma_start3A_88, %dma_start3A_89, %dma_start3A_90] : memref<16x2x8x8192xf32, #tpu.memory_space<vmem_shared>> -> memref<1x1x8x8064xf32, #tpu.memory_space<vmem_shared>>
    %dma_start3A_92 = tpu.memref_squeeze %dma_start3A_91 : memref<1x1x8x8064xf32, #tpu.memory_space<vmem_shared>> -> memref<8x8064xf32, #tpu.memory_space<vmem_shared>>
    %dma_start3A_93 = arith.constant 0 : i32
    %dma_start3A_94 = tpu.memref_slice %arg2[%add3A_87, %dma_start3A_93] : memref<4096x8192xf32, #tpu.memory_space<hbm>> -> memref<8x8064xf32, #tpu.memory_space<hbm>>
    tpu.enqueue_dma source(%dma_start3A_94 : memref<8x8064xf32, #tpu.memory_space<hbm>>) target(%dma_start3A_92 : memref<8x8064xf32, #tpu.memory_space<vmem_shared>>) target_semaphore(%arg5 : memref<!tpu.dma_semaphore, #tpu.memory_space<semaphore_mem>>)
    %dma_start3A_95 = arith.constant 0 : i32
    %dma_start3A_96 = arith.constant 0 : i32
    %dma_start3A_97 = arith.constant 0 : i32
    %dma_start3A_98 = tpu.memref_slice %arg4[%arg1, %dma_start3A_95, %dma_start3A_96, %dma_start3A_97] : memref<16x2x8x8192xf32, #tpu.memory_space<vmem_shared>> -> memref<1x1x8x128xf32, #tpu.memory_space<vmem_shared>>
    %dma_start3A_99 = tpu.memref_squeeze %dma_start3A_98 : memref<1x1x8x128xf32, #tpu.memory_space<vmem_shared>> -> memref<8x128xf32, #tpu.memory_space<vmem_shared>>
    %dma_start3A_100 = arith.constant 8064 : i32
    %dma_start3A_101 = tpu.memref_slice %arg2[%add3A_87, %dma_start3A_100] : memref<4096x8192xf32, #tpu.memory_space<hbm>> -> memref<8x128xf32, #tpu.memory_space<hbm>>
    tpu.enqueue_dma source(%dma_start3A_101 : memref<8x128xf32, #tpu.memory_space<hbm>>) target(%dma_start3A_99 : memref<8x128xf32, #tpu.memory_space<vmem_shared>>) target_semaphore(%arg5 : memref<!tpu.dma_semaphore, #tpu.memory_space<semaphore_mem>>)
    %dma_wait3A_102 = arith.constant 0 : i32
    %dma_wait3A_103 = arith.constant 0 : i32
    %dma_wait3A_104 = arith.constant 128 : i32
    %dma_wait3A_105 = tpu.memref_slice %arg4[%arg1, %dma_wait3A_102, %dma_wait3A_103, %dma_wait3A_104] : memref<16x2x8x8192xf32, #tpu.memory_space<vmem_shared>> -> memref<1x1x8x8064xf32, #tpu.memory_space<vmem_shared>>
    %dma_wait3A_106 = tpu.memref_squeeze %dma_wait3A_105 : memref<1x1x8x8064xf32, #tpu.memory_space<vmem_shared>> -> memref<8x8064xf32, #tpu.memory_space<vmem_shared>>
    %dma_wait3A_107 = arith.constant 0 : i32
    %dma_wait3A_108 = tpu.memref_slice %arg2[%add3A_87, %dma_wait3A_107] : memref<4096x8192xf32, #tpu.memory_space<hbm>> -> memref<8x8064xf32, #tpu.memory_space<hbm>>
    tpu.wait_dma2 semaphore(%arg5 : memref<!tpu.dma_semaphore, #tpu.memory_space<semaphore_mem>>) src(%dma_wait3A_108 : memref<8x8064xf32, #tpu.memory_space<hbm>>) dst(%dma_wait3A_106 : memref<8x8064xf32, #tpu.memory_space<vmem_shared>>)
    %dma_wait3A_109 = arith.constant 0 : i32
    %dma_wait3A_110 = arith.constant 0 : i32
    %dma_wait3A_111 = arith.constant 0 : i32
    %dma_wait3A_112 = tpu.memref_slice %arg4[%arg1, %dma_wait3A_109, %dma_wait3A_110, %dma_wait3A_111] : memref<16x2x8x8192xf32, #tpu.memory_space<vmem_shared>> -> memref<1x1x8x128xf32, #tpu.memory_space<vmem_shared>>
    %dma_wait3A_113 = tpu.memref_squeeze %dma_wait3A_112 : memref<1x1x8x128xf32, #tpu.memory_space<vmem_shared>> -> memref<8x128xf32, #tpu.memory_space<vmem_shared>>
    %dma_wait3A_114 = arith.constant 8064 : i32
    %dma_wait3A_115 = tpu.memref_slice %arg2[%add3A_87, %dma_wait3A_114] : memref<4096x8192xf32, #tpu.memory_space<hbm>> -> memref<8x128xf32, #tpu.memory_space<hbm>>
    tpu.wait_dma2 semaphore(%arg5 : memref<!tpu.dma_semaphore, #tpu.memory_space<semaphore_mem>>) src(%dma_wait3A_115 : memref<8x128xf32, #tpu.memory_space<hbm>>) dst(%dma_wait3A_113 : memref<8x128xf32, #tpu.memory_space<vmem_shared>>)
    %add3A_116 = arith.constant 16 : i32
    %add3A_117 = arith.addi %mul3A_2, %add3A_116 : i32
    %dma_start3A_118 = arith.constant 0 : i32
    %dma_start3A_119 = arith.constant 0 : i32
    %dma_start3A_120 = tpu.memref_slice %arg3[%add3A_117, %dma_start3A_119] : memref<4096x8192xf32, #tpu.memory_space<hbm>> -> memref<8x8192xf32, #tpu.memory_space<hbm>>
    %dma_start3A_121 = arith.constant 0 : i32
    %dma_start3A_122 = arith.constant 0 : i32
    %dma_start3A_123 = tpu.memref_slice %arg4[%arg1, %dma_start3A_118, %dma_start3A_121, %dma_start3A_122] : memref<16x2x8x8192xf32, #tpu.memory_space<vmem_shared>> -> memref<1x1x8x8192xf32, #tpu.memory_space<vmem_shared>>
    %dma_start3A_124 = tpu.memref_squeeze %dma_start3A_123 : memref<1x1x8x8192xf32, #tpu.memory_space<vmem_shared>> -> memref<8x8192xf32, #tpu.memory_space<vmem_shared>>
    tpu.enqueue_dma source(%dma_start3A_124 : memref<8x8192xf32, #tpu.memory_space<vmem_shared>>) target(%dma_start3A_120 : memref<8x8192xf32, #tpu.memory_space<hbm>>) target_semaphore(%arg7 : memref<!tpu.dma_semaphore, #tpu.memory_space<semaphore_mem>>)
    %dma_wait3A_125 = arith.constant 1 : i32
    %dma_wait3A_126 = arith.constant 0 : i32
    %dma_wait3A_127 = tpu.memref_slice %arg3[%add3A_71, %dma_wait3A_126] : memref<4096x8192xf32, #tpu.memory_space<hbm>> -> memref<8x8192xf32, #tpu.memory_space<hbm>>
    %dma_wait3A_128 = arith.constant 0 : i32
    %dma_wait3A_129 = arith.constant 0 : i32
    %dma_wait3A_130 = tpu.memref_slice %arg4[%arg1, %dma_wait3A_125, %dma_wait3A_128, %dma_wait3A_129] : memref<16x2x8x8192xf32, #tpu.memory_space<vmem_shared>> -> memref<1x1x8x8192xf32, #tpu.memory_space<vmem_shared>>
    %dma_wait3A_131 = tpu.memref_squeeze %dma_wait3A_130 : memref<1x1x8x8192xf32, #tpu.memory_space<vmem_shared>> -> memref<8x8192xf32, #tpu.memory_space<vmem_shared>>
    tpu.wait_dma2 semaphore(%arg8 : memref<!tpu.dma_semaphore, #tpu.memory_space<semaphore_mem>>) src(%dma_wait3A_131 : memref<8x8192xf32, #tpu.memory_space<vmem_shared>>) dst(%dma_wait3A_127 : memref<8x8192xf32, #tpu.memory_space<hbm>>)
    %add3A_132 = arith.constant 24 : i32
    %add3A_133 = arith.addi %mul3A_2, %add3A_132 : i32
    %dma_start3A_134 = arith.constant 1 : i32
    %dma_start3A_135 = arith.constant 0 : i32
    %dma_start3A_136 = arith.constant 128 : i32
    %dma_start3A_137 = tpu.memref_slice %arg4[%arg1, %dma_start3A_134, %dma_start3A_135, %dma_start3A_136] : memref<16x2x8x8192xf32, #tpu.memory_space<vmem_shared>> -> memref<1x1x8x8064xf32, #tpu.memory_space<vmem_shared>>
    %dma_start3A_138 = tpu.memref_squeeze %dma_start3A_137 : memref<1x1x8x8064xf32, #tpu.memory_space<vmem_shared>> -> memref<8x8064xf32, #tpu.memory_space<vmem_shared>>
    %dma_start3A_139 = arith.constant 0 : i32
    %dma_start3A_140 = tpu.memref_slice %arg2[%add3A_133, %dma_start3A_139] : memref<4096x8192xf32, #tpu.memory_space<hbm>> -> memref<8x8064xf32, #tpu.memory_space<hbm>>
    tpu.enqueue_dma source(%dma_start3A_140 : memref<8x8064xf32, #tpu.memory_space<hbm>>) target(%dma_start3A_138 : memref<8x8064xf32, #tpu.memory_space<vmem_shared>>) target_semaphore(%arg6 : memref<!tpu.dma_semaphore, #tpu.memory_space<semaphore_mem>>)
    %dma_start3A_141 = arith.constant 1 : i32
    %dma_start3A_142 = arith.constant 0 : i32
    %dma_start3A_143 = arith.constant 0 : i32
    %dma_start3A_144 = tpu.memref_slice %arg4[%arg1, %dma_start3A_141, %dma_start3A_142, %dma_start3A_143] : memref<16x2x8x8192xf32, #tpu.memory_space<vmem_shared>> -> memref<1x1x8x128xf32, #tpu.memory_space<vmem_shared>>
    %dma_start3A_145 = tpu.memref_squeeze %dma_start3A_144 : memref<1x1x8x128xf32, #tpu.memory_space<vmem_shared>> -> memref<8x128xf32, #tpu.memory_space<vmem_shared>>
    %dma_start3A_146 = arith.constant 8064 : i32
    %dma_start3A_147 = tpu.memref_slice %arg2[%add3A_133, %dma_start3A_146] : memref<4096x8192xf32, #tpu.memory_space<hbm>> -> memref<8x128xf32, #tpu.memory_space<hbm>>
    tpu.enqueue_dma source(%dma_start3A_147 : memref<8x128xf32, #tpu.memory_space<hbm>>) target(%dma_start3A_145 : memref<8x128xf32, #tpu.memory_space<vmem_shared>>) target_semaphore(%arg6 : memref<!tpu.dma_semaphore, #tpu.memory_space<semaphore_mem>>)
    %dma_wait3A_148 = arith.constant 1 : i32
    %dma_wait3A_149 = arith.constant 0 : i32
    %dma_wait3A_150 = arith.constant 128 : i32
    %dma_wait3A_151 = tpu.memref_slice %arg4[%arg1, %dma_wait3A_148, %dma_wait3A_149, %dma_wait3A_150] : memref<16x2x8x8192xf32, #tpu.memory_space<vmem_shared>> -> memref<1x1x8x8064xf32, #tpu.memory_space<vmem_shared>>
    %dma_wait3A_152 = tpu.memref_squeeze %dma_wait3A_151 : memref<1x1x8x8064xf32, #tpu.memory_space<vmem_shared>> -> memref<8x8064xf32, #tpu.memory_space<vmem_shared>>
    %dma_wait3A_153 = arith.constant 0 : i32
    %dma_wait3A_154 = tpu.memref_slice %arg2[%add3A_133, %dma_wait3A_153] : memref<4096x8192xf32, #tpu.memory_space<hbm>> -> memref<8x8064xf32, #tpu.memory_space<hbm>>
    tpu.wait_dma2 semaphore(%arg6 : memref<!tpu.dma_semaphore, #tpu.memory_space<semaphore_mem>>) src(%dma_wait3A_154 : memref<8x8064xf32, #tpu.memory_space<hbm>>) dst(%dma_wait3A_152 : memref<8x8064xf32, #tpu.memory_space<vmem_shared>>)
    %dma_wait3A_155 = arith.constant 1 : i32
    %dma_wait3A_156 = arith.constant 0 : i32
    %dma_wait3A_157 = arith.constant 0 : i32
    %dma_wait3A_158 = tpu.memref_slice %arg4[%arg1, %dma_wait3A_155, %dma_wait3A_156, %dma_wait3A_157] : memref<16x2x8x8192xf32, #tpu.memory_space<vmem_shared>> -> memref<1x1x8x128xf32, #tpu.memory_space<vmem_shared>>
    %dma_wait3A_159 = tpu.memref_squeeze %dma_wait3A_158 : memref<1x1x8x128xf32, #tpu.memory_space<vmem_shared>> -> memref<8x128xf32, #tpu.memory_space<vmem_shared>>
    %dma_wait3A_160 = arith.constant 8064 : i32
    %dma_wait3A_161 = tpu.memref_slice %arg2[%add3A_133, %dma_wait3A_160] : memref<4096x8192xf32, #tpu.memory_space<hbm>> -> memref<8x128xf32, #tpu.memory_space<hbm>>
    tpu.wait_dma2 semaphore(%arg6 : memref<!tpu.dma_semaphore, #tpu.memory_space<semaphore_mem>>) src(%dma_wait3A_161 : memref<8x128xf32, #tpu.memory_space<hbm>>) dst(%dma_wait3A_159 : memref<8x128xf32, #tpu.memory_space<vmem_shared>>)
    %add3A_162 = arith.constant 24 : i32
    %add3A_163 = arith.addi %mul3A_2, %add3A_162 : i32
    %dma_start3A_164 = arith.constant 1 : i32
    %dma_start3A_165 = arith.constant 0 : i32
    %dma_start3A_166 = tpu.memref_slice %arg3[%add3A_163, %dma_start3A_165] : memref<4096x8192xf32, #tpu.memory_space<hbm>> -> memref<8x8192xf32, #tpu.memory_space<hbm>>
    %dma_start3A_167 = arith.constant 0 : i32
    %dma_start3A_168 = arith.constant 0 : i32
    %dma_start3A_169 = tpu.memref_slice %arg4[%arg1, %dma_start3A_164, %dma_start3A_167, %dma_start3A_168] : memref<16x2x8x8192xf32, #tpu.memory_space<vmem_shared>> -> memref<1x1x8x8192xf32, #tpu.memory_space<vmem_shared>>
    %dma_start3A_170 = tpu.memref_squeeze %dma_start3A_169 : memref<1x1x8x8192xf32, #tpu.memory_space<vmem_shared>> -> memref<8x8192xf32, #tpu.memory_space<vmem_shared>>
    tpu.enqueue_dma source(%dma_start3A_170 : memref<8x8192xf32, #tpu.memory_space<vmem_shared>>) target(%dma_start3A_166 : memref<8x8192xf32, #tpu.memory_space<hbm>>) target_semaphore(%arg8 : memref<!tpu.dma_semaphore, #tpu.memory_space<semaphore_mem>>)
    %dma_wait3A_171 = arith.constant 0 : i32
    %dma_wait3A_172 = arith.constant 0 : i32
    %dma_wait3A_173 = tpu.memref_slice %arg3[%add3A_117, %dma_wait3A_172] : memref<4096x8192xf32, #tpu.memory_space<hbm>> -> memref<8x8192xf32, #tpu.memory_space<hbm>>
    %dma_wait3A_174 = arith.constant 0 : i32
    %dma_wait3A_175 = arith.constant 0 : i32
    %dma_wait3A_176 = tpu.memref_slice %arg4[%arg1, %dma_wait3A_171, %dma_wait3A_174, %dma_wait3A_175] : memref<16x2x8x8192xf32, #tpu.memory_space<vmem_shared>> -> memref<1x1x8x8192xf32, #tpu.memory_space<vmem_shared>>
    %dma_wait3A_177 = tpu.memref_squeeze %dma_wait3A_176 : memref<1x1x8x8192xf32, #tpu.memory_space<vmem_shared>> -> memref<8x8192xf32, #tpu.memory_space<vmem_shared>>
    tpu.wait_dma2 semaphore(%arg7 : memref<!tpu.dma_semaphore, #tpu.memory_space<semaphore_mem>>) src(%dma_wait3A_177 : memref<8x8192xf32, #tpu.memory_space<vmem_shared>>) dst(%dma_wait3A_173 : memref<8x8192xf32, #tpu.memory_space<hbm>>)
    %add3A_178 = arith.constant 32 : i32
    %add3A_179 = arith.addi %mul3A_2, %add3A_178 : i32
    %dma_start3A_180 = arith.constant 0 : i32
    %dma_start3A_181 = arith.constant 0 : i32
    %dma_start3A_182 = arith.constant 128 : i32
    %dma_start3A_183 = tpu.memref_slice %arg4[%arg1, %dma_start3A_180, %dma_start3A_181, %dma_start3A_182] : memref<16x2x8x8192xf32, #tpu.memory_space<vmem_shared>> -> memref<1x1x8x8064xf32, #tpu.memory_space<vmem_shared>>
    %dma_start3A_184 = tpu.memref_squeeze %dma_start3A_183 : memref<1x1x8x8064xf32, #tpu.memory_space<vmem_shared>> -> memref<8x8064xf32, #tpu.memory_space<vmem_shared>>
    %dma_start3A_185 = arith.constant 0 : i32
    %dma_start3A_186 = tpu.memref_slice %arg2[%add3A_179, %dma_start3A_185] : memref<4096x8192xf32, #tpu.memory_space<hbm>> -> memref<8x8064xf32, #tpu.memory_space<hbm>>
    tpu.enqueue_dma source(%dma_start3A_186 : memref<8x8064xf32, #tpu.memory_space<hbm>>) target(%dma_start3A_184 : memref<8x8064xf32, #tpu.memory_space<vmem_shared>>) target_semaphore(%arg5 : memref<!tpu.dma_semaphore, #tpu.memory_space<semaphore_mem>>)
    %dma_start3A_187 = arith.constant 0 : i32
    %dma_start3A_188 = arith.constant 0 : i32
    %dma_start3A_189 = arith.constant 0 : i32
    %dma_start3A_190 = tpu.memref_slice %arg4[%arg1, %dma_start3A_187, %dma_start3A_188, %dma_start3A_189] : memref<16x2x8x8192xf32, #tpu.memory_space<vmem_shared>> -> memref<1x1x8x128xf32, #tpu.memory_space<vmem_shared>>
    %dma_start3A_191 = tpu.memref_squeeze %dma_start3A_190 : memref<1x1x8x128xf32, #tpu.memory_space<vmem_shared>> -> memref<8x128xf32, #tpu.memory_space<vmem_shared>>
    %dma_start3A_192 = arith.constant 8064 : i32
    %dma_start3A_193 = tpu.memref_slice %arg2[%add3A_179, %dma_start3A_192] : memref<4096x8192xf32, #tpu.memory_space<hbm>> -> memref<8x128xf32, #tpu.memory_space<hbm>>
    tpu.enqueue_dma source(%dma_start3A_193 : memref<8x128xf32, #tpu.memory_space<hbm>>) target(%dma_start3A_191 : memref<8x128xf32, #tpu.memory_space<vmem_shared>>) target_semaphore(%arg5 : memref<!tpu.dma_semaphore, #tpu.memory_space<semaphore_mem>>)
    %dma_wait3A_194 = arith.constant 0 : i32
    %dma_wait3A_195 = arith.constant 0 : i32
    %dma_wait3A_196 = arith.constant 128 : i32
    %dma_wait3A_197 = tpu.memref_slice %arg4[%arg1, %dma_wait3A_194, %dma_wait3A_195, %dma_wait3A_196] : memref<16x2x8x8192xf32, #tpu.memory_space<vmem_shared>> -> memref<1x1x8x8064xf32, #tpu.memory_space<vmem_shared>>
    %dma_wait3A_198 = tpu.memref_squeeze %dma_wait3A_197 : memref<1x1x8x8064xf32, #tpu.memory_space<vmem_shared>> -> memref<8x8064xf32, #tpu.memory_space<vmem_shared>>
    %dma_wait3A_199 = arith.constant 0 : i32
    %dma_wait3A_200 = tpu.memref_slice %arg2[%add3A_179, %dma_wait3A_199] : memref<4096x8192xf32, #tpu.memory_space<hbm>> -> memref<8x8064xf32, #tpu.memory_space<hbm>>
    tpu.wait_dma2 semaphore(%arg5 : memref<!tpu.dma_semaphore, #tpu.memory_space<semaphore_mem>>) src(%dma_wait3A_200 : memref<8x8064xf32, #tpu.memory_space<hbm>>) dst(%dma_wait3A_198 : memref<8x8064xf32, #tpu.memory_space<vmem_shared>>)
    %dma_wait3A_201 = arith.constant 0 : i32
    %dma_wait3A_202 = arith.constant 0 : i32
    %dma_wait3A_203 = arith.constant 0 : i32
    %dma_wait3A_204 = tpu.memref_slice %arg4[%arg1, %dma_wait3A_201, %dma_wait3A_202, %dma_wait3A_203] : memref<16x2x8x8192xf32, #tpu.memory_space<vmem_shared>> -> memref<1x1x8x128xf32, #tpu.memory_space<vmem_shared>>
    %dma_wait3A_205 = tpu.memref_squeeze %dma_wait3A_204 : memref<1x1x8x128xf32, #tpu.memory_space<vmem_shared>> -> memref<8x128xf32, #tpu.memory_space<vmem_shared>>
    %dma_wait3A_206 = arith.constant 8064 : i32
    %dma_wait3A_207 = tpu.memref_slice %arg2[%add3A_179, %dma_wait3A_206] : memref<4096x8192xf32, #tpu.memory_space<hbm>> -> memref<8x128xf32, #tpu.memory_space<hbm>>
    tpu.wait_dma2 semaphore(%arg5 : memref<!tpu.dma_semaphore, #tpu.memory_space<semaphore_mem>>) src(%dma_wait3A_207 : memref<8x128xf32, #tpu.memory_space<hbm>>) dst(%dma_wait3A_205 : memref<8x128xf32, #tpu.memory_space<vmem_shared>>)
    %add3A_208 = arith.constant 32 : i32
    %add3A_209 = arith.addi %mul3A_2, %add3A_208 : i32
    %dma_start3A_210 = arith.constant 0 : i32
    %dma_start3A_211 = arith.constant 0 : i32
    %dma_start3A_212 = tpu.memref_slice %arg3[%add3A_209, %dma_start3A_211] : memref<4096x8192xf32, #tpu.memory_space<hbm>> -> memref<8x8192xf32, #tpu.memory_space<hbm>>
    %dma_start3A_213 = arith.constant 0 : i32
    %dma_start3A_214 = arith.constant 0 : i32
    %dma_start3A_215 = tpu.memref_slice %arg4[%arg1, %dma_start3A_210, %dma_start3A_213, %dma_start3A_214] : memref<16x2x8x8192xf32, #tpu.memory_space<vmem_shared>> -> memref<1x1x8x8192xf32, #tpu.memory_space<vmem_shared>>
    %dma_start3A_216 = tpu.memref_squeeze %dma_start3A_215 : memref<1x1x8x8192xf32, #tpu.memory_space<vmem_shared>> -> memref<8x8192xf32, #tpu.memory_space<vmem_shared>>
    tpu.enqueue_dma source(%dma_start3A_216 : memref<8x8192xf32, #tpu.memory_space<vmem_shared>>) target(%dma_start3A_212 : memref<8x8192xf32, #tpu.memory_space<hbm>>) target_semaphore(%arg7 : memref<!tpu.dma_semaphore, #tpu.memory_space<semaphore_mem>>)
    %dma_wait3A_217 = arith.constant 1 : i32
    %dma_wait3A_218 = arith.constant 0 : i32
    %dma_wait3A_219 = tpu.memref_slice %arg3[%add3A_163, %dma_wait3A_218] : memref<4096x8192xf32, #tpu.memory_space<hbm>> -> memref<8x8192xf32, #tpu.memory_space<hbm>>
    %dma_wait3A_220 = arith.constant 0 : i32
    %dma_wait3A_221 = arith.constant 0 : i32
    %dma_wait3A_222 = tpu.memref_slice %arg4[%arg1, %dma_wait3A_217, %dma_wait3A_220, %dma_wait3A_221] : memref<16x2x8x8192xf32, #tpu.memory_space<vmem_shared>> -> memref<1x1x8x8192xf32, #tpu.memory_space<vmem_shared>>
    %dma_wait3A_223 = tpu.memref_squeeze %dma_wait3A_222 : memref<1x1x8x8192xf32, #tpu.memory_space<vmem_shared>> -> memref<8x8192xf32, #tpu.memory_space<vmem_shared>>
    tpu.wait_dma2 semaphore(%arg8 : memref<!tpu.dma_semaphore, #tpu.memory_space<semaphore_mem>>) src(%dma_wait3A_223 : memref<8x8192xf32, #tpu.memory_space<vmem_shared>>) dst(%dma_wait3A_219 : memref<8x8192xf32, #tpu.memory_space<hbm>>)
    %add3A_224 = arith.constant 40 : i32
    %add3A_225 = arith.addi %mul3A_2, %add3A_224 : i32
    %dma_start3A_226 = arith.constant 1 : i32
    %dma_start3A_227 = arith.constant 0 : i32
    %dma_start3A_228 = arith.constant 128 : i32
    %dma_start3A_229 = tpu.memref_slice %arg4[%arg1, %dma_start3A_226, %dma_start3A_227, %dma_start3A_228] : memref<16x2x8x8192xf32, #tpu.memory_space<vmem_shared>> -> memref<1x1x8x8064xf32, #tpu.memory_space<vmem_shared>>
    %dma_start3A_230 = tpu.memref_squeeze %dma_start3A_229 : memref<1x1x8x8064xf32, #tpu.memory_space<vmem_shared>> -> memref<8x8064xf32, #tpu.memory_space<vmem_shared>>
    %dma_start3A_231 = arith.constant 0 : i32
    %dma_start3A_232 = tpu.memref_slice %arg2[%add3A_225, %dma_start3A_231] : memref<4096x8192xf32, #tpu.memory_space<hbm>> -> memref<8x8064xf32, #tpu.memory_space<hbm>>
    tpu.enqueue_dma source(%dma_start3A_232 : memref<8x8064xf32, #tpu.memory_space<hbm>>) target(%dma_start3A_230 : memref<8x8064xf32, #tpu.memory_space<vmem_shared>>) target_semaphore(%arg6 : memref<!tpu.dma_semaphore, #tpu.memory_space<semaphore_mem>>)
    %dma_start3A_233 = arith.constant 1 : i32
    %dma_start3A_234 = arith.constant 0 : i32
    %dma_start3A_235 = arith.constant 0 : i32
    %dma_start3A_236 = tpu.memref_slice %arg4[%arg1, %dma_start3A_233, %dma_start3A_234, %dma_start3A_235] : memref<16x2x8x8192xf32, #tpu.memory_space<vmem_shared>> -> memref<1x1x8x128xf32, #tpu.memory_space<vmem_shared>>
    %dma_start3A_237 = tpu.memref_squeeze %dma_start3A_236 : memref<1x1x8x128xf32, #tpu.memory_space<vmem_shared>> -> memref<8x128xf32, #tpu.memory_space<vmem_shared>>
    %dma_start3A_238 = arith.constant 8064 : i32
    %dma_start3A_239 = tpu.memref_slice %arg2[%add3A_225, %dma_start3A_238] : memref<4096x8192xf32, #tpu.memory_space<hbm>> -> memref<8x128xf32, #tpu.memory_space<hbm>>
    tpu.enqueue_dma source(%dma_start3A_239 : memref<8x128xf32, #tpu.memory_space<hbm>>) target(%dma_start3A_237 : memref<8x128xf32, #tpu.memory_space<vmem_shared>>) target_semaphore(%arg6 : memref<!tpu.dma_semaphore, #tpu.memory_space<semaphore_mem>>)
    %dma_wait3A_240 = arith.constant 1 : i32
    %dma_wait3A_241 = arith.constant 0 : i32
    %dma_wait3A_242 = arith.constant 128 : i32
    %dma_wait3A_243 = tpu.memref_slice %arg4[%arg1, %dma_wait3A_240, %dma_wait3A_241, %dma_wait3A_242] : memref<16x2x8x8192xf32, #tpu.memory_space<vmem_shared>> -> memref<1x1x8x8064xf32, #tpu.memory_space<vmem_shared>>
    %dma_wait3A_244 = tpu.memref_squeeze %dma_wait3A_243 : memref<1x1x8x8064xf32, #tpu.memory_space<vmem_shared>> -> memref<8x8064xf32, #tpu.memory_space<vmem_shared>>
    %dma_wait3A_245 = arith.constant 0 : i32
    %dma_wait3A_246 = tpu.memref_slice %arg2[%add3A_225, %dma_wait3A_245] : memref<4096x8192xf32, #tpu.memory_space<hbm>> -> memref<8x8064xf32, #tpu.memory_space<hbm>>
    tpu.wait_dma2 semaphore(%arg6 : memref<!tpu.dma_semaphore, #tpu.memory_space<semaphore_mem>>) src(%dma_wait3A_246 : memref<8x8064xf32, #tpu.memory_space<hbm>>) dst(%dma_wait3A_244 : memref<8x8064xf32, #tpu.memory_space<vmem_shared>>)
    %dma_wait3A_247 = arith.constant 1 : i32
    %dma_wait3A_248 = arith.constant 0 : i32
    %dma_wait3A_249 = arith.constant 0 : i32
    %dma_wait3A_250 = tpu.memref_slice %arg4[%arg1, %dma_wait3A_247, %dma_wait3A_248, %dma_wait3A_249] : memref<16x2x8x8192xf32, #tpu.memory_space<vmem_shared>> -> memref<1x1x8x128xf32, #tpu.memory_space<vmem_shared>>
    %dma_wait3A_251 = tpu.memref_squeeze %dma_wait3A_250 : memref<1x1x8x128xf32, #tpu.memory_space<vmem_shared>> -> memref<8x128xf32, #tpu.memory_space<vmem_shared>>
    %dma_wait3A_252 = arith.constant 8064 : i32
    %dma_wait3A_253 = tpu.memref_slice %arg2[%add3A_225, %dma_wait3A_252] : memref<4096x8192xf32, #tpu.memory_space<hbm>> -> memref<8x128xf32, #tpu.memory_space<hbm>>
    tpu.wait_dma2 semaphore(%arg6 : memref<!tpu.dma_semaphore, #tpu.memory_space<semaphore_mem>>) src(%dma_wait3A_253 : memref<8x128xf32, #tpu.memory_space<hbm>>) dst(%dma_wait3A_251 : memref<8x128xf32, #tpu.memory_space<vmem_shared>>)
    %add3A_254 = arith.constant 40 : i32
    %add3A_255 = arith.addi %mul3A_2, %add3A_254 : i32
    %dma_start3A_256 = arith.constant 1 : i32
    %dma_start3A_257 = arith.constant 0 : i32
    %dma_start3A_258 = tpu.memref_slice %arg3[%add3A_255, %dma_start3A_257] : memref<4096x8192xf32, #tpu.memory_space<hbm>> -> memref<8x8192xf32, #tpu.memory_space<hbm>>
    %dma_start3A_259 = arith.constant 0 : i32
    %dma_start3A_260 = arith.constant 0 : i32
    %dma_start3A_261 = tpu.memref_slice %arg4[%arg1, %dma_start3A_256, %dma_start3A_259, %dma_start3A_260] : memref<16x2x8x8192xf32, #tpu.memory_space<vmem_shared>> -> memref<1x1x8x8192xf32, #tpu.memory_space<vmem_shared>>
    %dma_start3A_262 = tpu.memref_squeeze %dma_start3A_261 : memref<1x1x8x8192xf32, #tpu.memory_space<vmem_shared>> -> memref<8x8192xf32, #tpu.memory_space<vmem_shared>>
    tpu.enqueue_dma source(%dma_start3A_262 : memref<8x8192xf32, #tpu.memory_space<vmem_shared>>) target(%dma_start3A_258 : memref<8x8192xf32, #tpu.memory_space<hbm>>) target_semaphore(%arg8 : memref<!tpu.dma_semaphore, #tpu.memory_space<semaphore_mem>>)
    %dma_wait3A_263 = arith.constant 0 : i32
    %dma_wait3A_264 = arith.constant 0 : i32
    %dma_wait3A_265 = tpu.memref_slice %arg3[%add3A_209, %dma_wait3A_264] : memref<4096x8192xf32, #tpu.memory_space<hbm>> -> memref<8x8192xf32, #tpu.memory_space<hbm>>
    %dma_wait3A_266 = arith.constant 0 : i32
    %dma_wait3A_267 = arith.constant 0 : i32
    %dma_wait3A_268 = tpu.memref_slice %arg4[%arg1, %dma_wait3A_263, %dma_wait3A_266, %dma_wait3A_267] : memref<16x2x8x8192xf32, #tpu.memory_space<vmem_shared>> -> memref<1x1x8x8192xf32, #tpu.memory_space<vmem_shared>>
    %dma_wait3A_269 = tpu.memref_squeeze %dma_wait3A_268 : memref<1x1x8x8192xf32, #tpu.memory_space<vmem_shared>> -> memref<8x8192xf32, #tpu.memory_space<vmem_shared>>
    tpu.wait_dma2 semaphore(%arg7 : memref<!tpu.dma_semaphore, #tpu.memory_space<semaphore_mem>>) src(%dma_wait3A_269 : memref<8x8192xf32, #tpu.memory_space<vmem_shared>>) dst(%dma_wait3A_265 : memref<8x8192xf32, #tpu.memory_space<hbm>>)
    %add3A_270 = arith.constant 48 : i32
    %add3A_271 = arith.addi %mul3A_2, %add3A_270 : i32
    %dma_start3A_272 = arith.constant 0 : i32
    %dma_start3A_273 = arith.constant 0 : i32
    %dma_start3A_274 = arith.constant 128 : i32
    %dma_start3A_275 = tpu.memref_slice %arg4[%arg1, %dma_start3A_272, %dma_start3A_273, %dma_start3A_274] : memref<16x2x8x8192xf32, #tpu.memory_space<vmem_shared>> -> memref<1x1x8x8064xf32, #tpu.memory_space<vmem_shared>>
    %dma_start3A_276 = tpu.memref_squeeze %dma_start3A_275 : memref<1x1x8x8064xf32, #tpu.memory_space<vmem_shared>> -> memref<8x8064xf32, #tpu.memory_space<vmem_shared>>
    %dma_start3A_277 = arith.constant 0 : i32
    %dma_start3A_278 = tpu.memref_slice %arg2[%add3A_271, %dma_start3A_277] : memref<4096x8192xf32, #tpu.memory_space<hbm>> -> memref<8x8064xf32, #tpu.memory_space<hbm>>
    tpu.enqueue_dma source(%dma_start3A_278 : memref<8x8064xf32, #tpu.memory_space<hbm>>) target(%dma_start3A_276 : memref<8x8064xf32, #tpu.memory_space<vmem_shared>>) target_semaphore(%arg5 : memref<!tpu.dma_semaphore, #tpu.memory_space<semaphore_mem>>)
    %dma_start3A_279 = arith.constant 0 : i32
    %dma_start3A_280 = arith.constant 0 : i32
    %dma_start3A_281 = arith.constant 0 : i32
    %dma_start3A_282 = tpu.memref_slice %arg4[%arg1, %dma_start3A_279, %dma_start3A_280, %dma_start3A_281] : memref<16x2x8x8192xf32, #tpu.memory_space<vmem_shared>> -> memref<1x1x8x128xf32, #tpu.memory_space<vmem_shared>>
    %dma_start3A_283 = tpu.memref_squeeze %dma_start3A_282 : memref<1x1x8x128xf32, #tpu.memory_space<vmem_shared>> -> memref<8x128xf32, #tpu.memory_space<vmem_shared>>
    %dma_start3A_284 = arith.constant 8064 : i32
    %dma_start3A_285 = tpu.memref_slice %arg2[%add3A_271, %dma_start3A_284] : memref<4096x8192xf32, #tpu.memory_space<hbm>> -> memref<8x128xf32, #tpu.memory_space<hbm>>
    tpu.enqueue_dma source(%dma_start3A_285 : memref<8x128xf32, #tpu.memory_space<hbm>>) target(%dma_start3A_283 : memref<8x128xf32, #tpu.memory_space<vmem_shared>>) target_semaphore(%arg5 : memref<!tpu.dma_semaphore, #tpu.memory_space<semaphore_mem>>)
    %dma_wait3A_286 = arith.constant 0 : i32
    %dma_wait3A_287 = arith.constant 0 : i32
    %dma_wait3A_288 = arith.constant 128 : i32
    %dma_wait3A_289 = tpu.memref_slice %arg4[%arg1, %dma_wait3A_286, %dma_wait3A_287, %dma_wait3A_288] : memref<16x2x8x8192xf32, #tpu.memory_space<vmem_shared>> -> memref<1x1x8x8064xf32, #tpu.memory_space<vmem_shared>>
    %dma_wait3A_290 = tpu.memref_squeeze %dma_wait3A_289 : memref<1x1x8x8064xf32, #tpu.memory_space<vmem_shared>> -> memref<8x8064xf32, #tpu.memory_space<vmem_shared>>
    %dma_wait3A_291 = arith.constant 0 : i32
    %dma_wait3A_292 = tpu.memref_slice %arg2[%add3A_271, %dma_wait3A_291] : memref<4096x8192xf32, #tpu.memory_space<hbm>> -> memref<8x8064xf32, #tpu.memory_space<hbm>>
    tpu.wait_dma2 semaphore(%arg5 : memref<!tpu.dma_semaphore, #tpu.memory_space<semaphore_mem>>) src(%dma_wait3A_292 : memref<8x8064xf32, #tpu.memory_space<hbm>>) dst(%dma_wait3A_290 : memref<8x8064xf32, #tpu.memory_space<vmem_shared>>)
    %dma_wait3A_293 = arith.constant 0 : i32
    %dma_wait3A_294 = arith.constant 0 : i32
    %dma_wait3A_295 = arith.constant 0 : i32
    %dma_wait3A_296 = tpu.memref_slice %arg4[%arg1, %dma_wait3A_293, %dma_wait3A_294, %dma_wait3A_295] : memref<16x2x8x8192xf32, #tpu.memory_space<vmem_shared>> -> memref<1x1x8x128xf32, #tpu.memory_space<vmem_shared>>
    %dma_wait3A_297 = tpu.memref_squeeze %dma_wait3A_296 : memref<1x1x8x128xf32, #tpu.memory_space<vmem_shared>> -> memref<8x128xf32, #tpu.memory_space<vmem_shared>>
    %dma_wait3A_298 = arith.constant 8064 : i32
    %dma_wait3A_299 = tpu.memref_slice %arg2[%add3A_271, %dma_wait3A_298] : memref<4096x8192xf32, #tpu.memory_space<hbm>> -> memref<8x128xf32, #tpu.memory_space<hbm>>
    tpu.wait_dma2 semaphore(%arg5 : memref<!tpu.dma_semaphore, #tpu.memory_space<semaphore_mem>>) src(%dma_wait3A_299 : memref<8x128xf32, #tpu.memory_space<hbm>>) dst(%dma_wait3A_297 : memref<8x128xf32, #tpu.memory_space<vmem_shared>>)
    %add3A_300 = arith.constant 48 : i32
    %add3A_301 = arith.addi %mul3A_2, %add3A_300 : i32
    %dma_start3A_302 = arith.constant 0 : i32
    %dma_start3A_303 = arith.constant 0 : i32
    %dma_start3A_304 = tpu.memref_slice %arg3[%add3A_301, %dma_start3A_303] : memref<4096x8192xf32, #tpu.memory_space<hbm>> -> memref<8x8192xf32, #tpu.memory_space<hbm>>
    %dma_start3A_305 = arith.constant 0 : i32
    %dma_start3A_306 = arith.constant 0 : i32
    %dma_start3A_307 = tpu.memref_slice %arg4[%arg1, %dma_start3A_302, %dma_start3A_305, %dma_start3A_306] : memref<16x2x8x8192xf32, #tpu.memory_space<vmem_shared>> -> memref<1x1x8x8192xf32, #tpu.memory_space<vmem_shared>>
    %dma_start3A_308 = tpu.memref_squeeze %dma_start3A_307 : memref<1x1x8x8192xf32, #tpu.memory_space<vmem_shared>> -> memref<8x8192xf32, #tpu.memory_space<vmem_shared>>
    tpu.enqueue_dma source(%dma_start3A_308 : memref<8x8192xf32, #tpu.memory_space<vmem_shared>>) target(%dma_start3A_304 : memref<8x8192xf32, #tpu.memory_space<hbm>>) target_semaphore(%arg7 : memref<!tpu.dma_semaphore, #tpu.memory_space<semaphore_mem>>)
    %dma_wait3A_309 = arith.constant 1 : i32
    %dma_wait3A_310 = arith.constant 0 : i32
    %dma_wait3A_311 = tpu.memref_slice %arg3[%add3A_255, %dma_wait3A_310] : memref<4096x8192xf32, #tpu.memory_space<hbm>> -> memref<8x8192xf32, #tpu.memory_space<hbm>>
    %dma_wait3A_312 = arith.constant 0 : i32
    %dma_wait3A_313 = arith.constant 0 : i32
    %dma_wait3A_314 = tpu.memref_slice %arg4[%arg1, %dma_wait3A_309, %dma_wait3A_312, %dma_wait3A_313] : memref<16x2x8x8192xf32, #tpu.memory_space<vmem_shared>> -> memref<1x1x8x8192xf32, #tpu.memory_space<vmem_shared>>
    %dma_wait3A_315 = tpu.memref_squeeze %dma_wait3A_314 : memref<1x1x8x8192xf32, #tpu.memory_space<vmem_shared>> -> memref<8x8192xf32, #tpu.memory_space<vmem_shared>>
    tpu.wait_dma2 semaphore(%arg8 : memref<!tpu.dma_semaphore, #tpu.memory_space<semaphore_mem>>) src(%dma_wait3A_315 : memref<8x8192xf32, #tpu.memory_space<vmem_shared>>) dst(%dma_wait3A_311 : memref<8x8192xf32, #tpu.memory_space<hbm>>)
    %add3A_316 = arith.constant 56 : i32
    %add3A_317 = arith.addi %mul3A_2, %add3A_316 : i32
    %dma_start3A_318 = arith.constant 1 : i32
    %dma_start3A_319 = arith.constant 0 : i32
    %dma_start3A_320 = arith.constant 128 : i32
    %dma_start3A_321 = tpu.memref_slice %arg4[%arg1, %dma_start3A_318, %dma_start3A_319, %dma_start3A_320] : memref<16x2x8x8192xf32, #tpu.memory_space<vmem_shared>> -> memref<1x1x8x8064xf32, #tpu.memory_space<vmem_shared>>
    %dma_start3A_322 = tpu.memref_squeeze %dma_start3A_321 : memref<1x1x8x8064xf32, #tpu.memory_space<vmem_shared>> -> memref<8x8064xf32, #tpu.memory_space<vmem_shared>>
    %dma_start3A_323 = arith.constant 0 : i32
    %dma_start3A_324 = tpu.memref_slice %arg2[%add3A_317, %dma_start3A_323] : memref<4096x8192xf32, #tpu.memory_space<hbm>> -> memref<8x8064xf32, #tpu.memory_space<hbm>>
    tpu.enqueue_dma source(%dma_start3A_324 : memref<8x8064xf32, #tpu.memory_space<hbm>>) target(%dma_start3A_322 : memref<8x8064xf32, #tpu.memory_space<vmem_shared>>) target_semaphore(%arg6 : memref<!tpu.dma_semaphore, #tpu.memory_space<semaphore_mem>>)
    %dma_start3A_325 = arith.constant 1 : i32
    %dma_start3A_326 = arith.constant 0 : i32
    %dma_start3A_327 = arith.constant 0 : i32
    %dma_start3A_328 = tpu.memref_slice %arg4[%arg1, %dma_start3A_325, %dma_start3A_326, %dma_start3A_327] : memref<16x2x8x8192xf32, #tpu.memory_space<vmem_shared>> -> memref<1x1x8x128xf32, #tpu.memory_space<vmem_shared>>
    %dma_start3A_329 = tpu.memref_squeeze %dma_start3A_328 : memref<1x1x8x128xf32, #tpu.memory_space<vmem_shared>> -> memref<8x128xf32, #tpu.memory_space<vmem_shared>>
    %dma_start3A_330 = arith.constant 8064 : i32
    %dma_start3A_331 = tpu.memref_slice %arg2[%add3A_317, %dma_start3A_330] : memref<4096x8192xf32, #tpu.memory_space<hbm>> -> memref<8x128xf32, #tpu.memory_space<hbm>>
    tpu.enqueue_dma source(%dma_start3A_331 : memref<8x128xf32, #tpu.memory_space<hbm>>) target(%dma_start3A_329 : memref<8x128xf32, #tpu.memory_space<vmem_shared>>) target_semaphore(%arg6 : memref<!tpu.dma_semaphore, #tpu.memory_space<semaphore_mem>>)
    %dma_wait3A_332 = arith.constant 1 : i32
    %dma_wait3A_333 = arith.constant 0 : i32
    %dma_wait3A_334 = arith.constant 128 : i32
    %dma_wait3A_335 = tpu.memref_slice %arg4[%arg1, %dma_wait3A_332, %dma_wait3A_333, %dma_wait3A_334] : memref<16x2x8x8192xf32, #tpu.memory_space<vmem_shared>> -> memref<1x1x8x8064xf32, #tpu.memory_space<vmem_shared>>
    %dma_wait3A_336 = tpu.memref_squeeze %dma_wait3A_335 : memref<1x1x8x8064xf32, #tpu.memory_space<vmem_shared>> -> memref<8x8064xf32, #tpu.memory_space<vmem_shared>>
    %dma_wait3A_337 = arith.constant 0 : i32
    %dma_wait3A_338 = tpu.memref_slice %arg2[%add3A_317, %dma_wait3A_337] : memref<4096x8192xf32, #tpu.memory_space<hbm>> -> memref<8x8064xf32, #tpu.memory_space<hbm>>
    tpu.wait_dma2 semaphore(%arg6 : memref<!tpu.dma_semaphore, #tpu.memory_space<semaphore_mem>>) src(%dma_wait3A_338 : memref<8x8064xf32, #tpu.memory_space<hbm>>) dst(%dma_wait3A_336 : memref<8x8064xf32, #tpu.memory_space<vmem_shared>>)
    %dma_wait3A_339 = arith.constant 1 : i32
    %dma_wait3A_340 = arith.constant 0 : i32
    %dma_wait3A_341 = arith.constant 0 : i32
    %dma_wait3A_342 = tpu.memref_slice %arg4[%arg1, %dma_wait3A_339, %dma_wait3A_340, %dma_wait3A_341] : memref<16x2x8x8192xf32, #tpu.memory_space<vmem_shared>> -> memref<1x1x8x128xf32, #tpu.memory_space<vmem_shared>>
    %dma_wait3A_343 = tpu.memref_squeeze %dma_wait3A_342 : memref<1x1x8x128xf32, #tpu.memory_space<vmem_shared>> -> memref<8x128xf32, #tpu.memory_space<vmem_shared>>
    %dma_wait3A_344 = arith.constant 8064 : i32
    %dma_wait3A_345 = tpu.memref_slice %arg2[%add3A_317, %dma_wait3A_344] : memref<4096x8192xf32, #tpu.memory_space<hbm>> -> memref<8x128xf32, #tpu.memory_space<hbm>>
    tpu.wait_dma2 semaphore(%arg6 : memref<!tpu.dma_semaphore, #tpu.memory_space<semaphore_mem>>) src(%dma_wait3A_345 : memref<8x128xf32, #tpu.memory_space<hbm>>) dst(%dma_wait3A_343 : memref<8x128xf32, #tpu.memory_space<vmem_shared>>)
    %add3A_346 = arith.constant 56 : i32
    %add3A_347 = arith.addi %mul3A_2, %add3A_346 : i32
    %dma_start3A_348 = arith.constant 1 : i32
    %dma_start3A_349 = arith.constant 0 : i32
    %dma_start3A_350 = tpu.memref_slice %arg3[%add3A_347, %dma_start3A_349] : memref<4096x8192xf32, #tpu.memory_space<hbm>> -> memref<8x8192xf32, #tpu.memory_space<hbm>>
    %dma_start3A_351 = arith.constant 0 : i32
    %dma_start3A_352 = arith.constant 0 : i32
    %dma_start3A_353 = tpu.memref_slice %arg4[%arg1, %dma_start3A_348, %dma_start3A_351, %dma_start3A_352] : memref<16x2x8x8192xf32, #tpu.memory_space<vmem_shared>> -> memref<1x1x8x8192xf32, #tpu.memory_space<vmem_shared>>
    %dma_start3A_354 = tpu.memref_squeeze %dma_start3A_353 : memref<1x1x8x8192xf32, #tpu.memory_space<vmem_shared>> -> memref<8x8192xf32, #tpu.memory_space<vmem_shared>>
    tpu.enqueue_dma source(%dma_start3A_354 : memref<8x8192xf32, #tpu.memory_space<vmem_shared>>) target(%dma_start3A_350 : memref<8x8192xf32, #tpu.memory_space<hbm>>) target_semaphore(%arg8 : memref<!tpu.dma_semaphore, #tpu.memory_space<semaphore_mem>>)
    %dma_wait3A_355 = arith.constant 0 : i32
    %dma_wait3A_356 = arith.constant 0 : i32
    %dma_wait3A_357 = tpu.memref_slice %arg3[%add3A_301, %dma_wait3A_356] : memref<4096x8192xf32, #tpu.memory_space<hbm>> -> memref<8x8192xf32, #tpu.memory_space<hbm>>
    %dma_wait3A_358 = arith.constant 0 : i32
    %dma_wait3A_359 = arith.constant 0 : i32
    %dma_wait3A_360 = tpu.memref_slice %arg4[%arg1, %dma_wait3A_355, %dma_wait3A_358, %dma_wait3A_359] : memref<16x2x8x8192xf32, #tpu.memory_space<vmem_shared>> -> memref<1x1x8x8192xf32, #tpu.memory_space<vmem_shared>>
    %dma_wait3A_361 = tpu.memref_squeeze %dma_wait3A_360 : memref<1x1x8x8192xf32, #tpu.memory_space<vmem_shared>> -> memref<8x8192xf32, #tpu.memory_space<vmem_shared>>
    tpu.wait_dma2 semaphore(%arg7 : memref<!tpu.dma_semaphore, #tpu.memory_space<semaphore_mem>>) src(%dma_wait3A_361 : memref<8x8192xf32, #tpu.memory_space<vmem_shared>>) dst(%dma_wait3A_357 : memref<8x8192xf32, #tpu.memory_space<hbm>>)
    %add3A_362 = arith.constant 64 : i32
    %add3A_363 = arith.addi %mul3A_2, %add3A_362 : i32
    %dma_start3A_364 = arith.constant 0 : i32
    %dma_start3A_365 = arith.constant 0 : i32
    %dma_start3A_366 = arith.constant 128 : i32
    %dma_start3A_367 = tpu.memref_slice %arg4[%arg1, %dma_start3A_364, %dma_start3A_365, %dma_start3A_366] : memref<16x2x8x8192xf32, #tpu.memory_space<vmem_shared>> -> memref<1x1x8x8064xf32, #tpu.memory_space<vmem_shared>>
    %dma_start3A_368 = tpu.memref_squeeze %dma_start3A_367 : memref<1x1x8x8064xf32, #tpu.memory_space<vmem_shared>> -> memref<8x8064xf32, #tpu.memory_space<vmem_shared>>
    %dma_start3A_369 = arith.constant 0 : i32
    %dma_start3A_370 = tpu.memref_slice %arg2[%add3A_363, %dma_start3A_369] : memref<4096x8192xf32, #tpu.memory_space<hbm>> -> memref<8x8064xf32, #tpu.memory_space<hbm>>
    tpu.enqueue_dma source(%dma_start3A_370 : memref<8x8064xf32, #tpu.memory_space<hbm>>) target(%dma_start3A_368 : memref<8x8064xf32, #tpu.memory_space<vmem_shared>>) target_semaphore(%arg5 : memref<!tpu.dma_semaphore, #tpu.memory_space<semaphore_mem>>)
    %dma_start3A_371 = arith.constant 0 : i32
    %dma_start3A_372 = arith.constant 0 : i32
    %dma_start3A_373 = arith.constant 0 : i32
    %dma_start3A_374 = tpu.memref_slice %arg4[%arg1, %dma_start3A_371, %dma_start3A_372, %dma_start3A_373] : memref<16x2x8x8192xf32, #tpu.memory_space<vmem_shared>> -> memref<1x1x8x128xf32, #tpu.memory_space<vmem_shared>>
    %dma_start3A_375 = tpu.memref_squeeze %dma_start3A_374 : memref<1x1x8x128xf32, #tpu.memory_space<vmem_shared>> -> memref<8x128xf32, #tpu.memory_space<vmem_shared>>
    %dma_start3A_376 = arith.constant 8064 : i32
    %dma_start3A_377 = tpu.memref_slice %arg2[%add3A_363, %dma_start3A_376] : memref<4096x8192xf32, #tpu.memory_space<hbm>> -> memref<8x128xf32, #tpu.memory_space<hbm>>
    tpu.enqueue_dma source(%dma_start3A_377 : memref<8x128xf32, #tpu.memory_space<hbm>>) target(%dma_start3A_375 : memref<8x128xf32, #tpu.memory_space<vmem_shared>>) target_semaphore(%arg5 : memref<!tpu.dma_semaphore, #tpu.memory_space<semaphore_mem>>)
    %dma_wait3A_378 = arith.constant 0 : i32
    %dma_wait3A_379 = arith.constant 0 : i32
    %dma_wait3A_380 = arith.constant 128 : i32
    %dma_wait3A_381 = tpu.memref_slice %arg4[%arg1, %dma_wait3A_378, %dma_wait3A_379, %dma_wait3A_380] : memref<16x2x8x8192xf32, #tpu.memory_space<vmem_shared>> -> memref<1x1x8x8064xf32, #tpu.memory_space<vmem_shared>>
    %dma_wait3A_382 = tpu.memref_squeeze %dma_wait3A_381 : memref<1x1x8x8064xf32, #tpu.memory_space<vmem_shared>> -> memref<8x8064xf32, #tpu.memory_space<vmem_shared>>
    %dma_wait3A_383 = arith.constant 0 : i32
    %dma_wait3A_384 = tpu.memref_slice %arg2[%add3A_363, %dma_wait3A_383] : memref<4096x8192xf32, #tpu.memory_space<hbm>> -> memref<8x8064xf32, #tpu.memory_space<hbm>>
    tpu.wait_dma2 semaphore(%arg5 : memref<!tpu.dma_semaphore, #tpu.memory_space<semaphore_mem>>) src(%dma_wait3A_384 : memref<8x8064xf32, #tpu.memory_space<hbm>>) dst(%dma_wait3A_382 : memref<8x8064xf32, #tpu.memory_space<vmem_shared>>)
    %dma_wait3A_385 = arith.constant 0 : i32
    %dma_wait3A_386 = arith.constant 0 : i32
    %dma_wait3A_387 = arith.constant 0 : i32
    %dma_wait3A_388 = tpu.memref_slice %arg4[%arg1, %dma_wait3A_385, %dma_wait3A_386, %dma_wait3A_387] : memref<16x2x8x8192xf32, #tpu.memory_space<vmem_shared>> -> memref<1x1x8x128xf32, #tpu.memory_space<vmem_shared>>
    %dma_wait3A_389 = tpu.memref_squeeze %dma_wait3A_388 : memref<1x1x8x128xf32, #tpu.memory_space<vmem_shared>> -> memref<8x128xf32, #tpu.memory_space<vmem_shared>>
    %dma_wait3A_390 = arith.constant 8064 : i32
    %dma_wait3A_391 = tpu.memref_slice %arg2[%add3A_363, %dma_wait3A_390] : memref<4096x8192xf32, #tpu.memory_space<hbm>> -> memref<8x128xf32, #tpu.memory_space<hbm>>
    tpu.wait_dma2 semaphore(%arg5 : memref<!tpu.dma_semaphore, #tpu.memory_space<semaphore_mem>>) src(%dma_wait3A_391 : memref<8x128xf32, #tpu.memory_space<hbm>>) dst(%dma_wait3A_389 : memref<8x128xf32, #tpu.memory_space<vmem_shared>>)
    %add3A_392 = arith.constant 64 : i32
    %add3A_393 = arith.addi %mul3A_2, %add3A_392 : i32
    %dma_start3A_394 = arith.constant 0 : i32
    %dma_start3A_395 = arith.constant 0 : i32
    %dma_start3A_396 = tpu.memref_slice %arg3[%add3A_393, %dma_start3A_395] : memref<4096x8192xf32, #tpu.memory_space<hbm>> -> memref<8x8192xf32, #tpu.memory_space<hbm>>
    %dma_start3A_397 = arith.constant 0 : i32
    %dma_start3A_398 = arith.constant 0 : i32
    %dma_start3A_399 = tpu.memref_slice %arg4[%arg1, %dma_start3A_394, %dma_start3A_397, %dma_start3A_398] : memref<16x2x8x8192xf32, #tpu.memory_space<vmem_shared>> -> memref<1x1x8x8192xf32, #tpu.memory_space<vmem_shared>>
    %dma_start3A_400 = tpu.memref_squeeze %dma_start3A_399 : memref<1x1x8x8192xf32, #tpu.memory_space<vmem_shared>> -> memref<8x8192xf32, #tpu.memory_space<vmem_shared>>
    tpu.enqueue_dma source(%dma_start3A_400 : memref<8x8192xf32, #tpu.memory_space<vmem_shared>>) target(%dma_start3A_396 : memref<8x8192xf32, #tpu.memory_space<hbm>>) target_semaphore(%arg7 : memref<!tpu.dma_semaphore, #tpu.memory_space<semaphore_mem>>)
    %dma_wait3A_401 = arith.constant 1 : i32
    %dma_wait3A_402 = arith.constant 0 : i32
    %dma_wait3A_403 = tpu.memref_slice %arg3[%add3A_347, %dma_wait3A_402] : memref<4096x8192xf32, #tpu.memory_space<hbm>> -> memref<8x8192xf32, #tpu.memory_space<hbm>>
    %dma_wait3A_404 = arith.constant 0 : i32
    %dma_wait3A_405 = arith.constant 0 : i32
    %dma_wait3A_406 = tpu.memref_slice %arg4[%arg1, %dma_wait3A_401, %dma_wait3A_404, %dma_wait3A_405] : memref<16x2x8x8192xf32, #tpu.memory_space<vmem_shared>> -> memref<1x1x8x8192xf32, #tpu.memory_space<vmem_shared>>
    %dma_wait3A_407 = tpu.memref_squeeze %dma_wait3A_406 : memref<1x1x8x8192xf32, #tpu.memory_space<vmem_shared>> -> memref<8x8192xf32, #tpu.memory_space<vmem_shared>>
    tpu.wait_dma2 semaphore(%arg8 : memref<!tpu.dma_semaphore, #tpu.memory_space<semaphore_mem>>) src(%dma_wait3A_407 : memref<8x8192xf32, #tpu.memory_space<vmem_shared>>) dst(%dma_wait3A_403 : memref<8x8192xf32, #tpu.memory_space<hbm>>)
    %add3A_408 = arith.constant 72 : i32
    %add3A_409 = arith.addi %mul3A_2, %add3A_408 : i32
    %dma_start3A_410 = arith.constant 1 : i32
    %dma_start3A_411 = arith.constant 0 : i32
    %dma_start3A_412 = arith.constant 128 : i32
    %dma_start3A_413 = tpu.memref_slice %arg4[%arg1, %dma_start3A_410, %dma_start3A_411, %dma_start3A_412] : memref<16x2x8x8192xf32, #tpu.memory_space<vmem_shared>> -> memref<1x1x8x8064xf32, #tpu.memory_space<vmem_shared>>
    %dma_start3A_414 = tpu.memref_squeeze %dma_start3A_413 : memref<1x1x8x8064xf32, #tpu.memory_space<vmem_shared>> -> memref<8x8064xf32, #tpu.memory_space<vmem_shared>>
    %dma_start3A_415 = arith.constant 0 : i32
    %dma_start3A_416 = tpu.memref_slice %arg2[%add3A_409, %dma_start3A_415] : memref<4096x8192xf32, #tpu.memory_space<hbm>> -> memref<8x8064xf32, #tpu.memory_space<hbm>>
    tpu.enqueue_dma source(%dma_start3A_416 : memref<8x8064xf32, #tpu.memory_space<hbm>>) target(%dma_start3A_414 : memref<8x8064xf32, #tpu.memory_space<vmem_shared>>) target_semaphore(%arg6 : memref<!tpu.dma_semaphore, #tpu.memory_space<semaphore_mem>>)
    %dma_start3A_417 = arith.constant 1 : i32
    %dma_start3A_418 = arith.constant 0 : i32
    %dma_start3A_419 = arith.constant 0 : i32
    %dma_start3A_420 = tpu.memref_slice %arg4[%arg1, %dma_start3A_417, %dma_start3A_418, %dma_start3A_419] : memref<16x2x8x8192xf32, #tpu.memory_space<vmem_shared>> -> memref<1x1x8x128xf32, #tpu.memory_space<vmem_shared>>
    %dma_start3A_421 = tpu.memref_squeeze %dma_start3A_420 : memref<1x1x8x128xf32, #tpu.memory_space<vmem_shared>> -> memref<8x128xf32, #tpu.memory_space<vmem_shared>>
    %dma_start3A_422 = arith.constant 8064 : i32
    %dma_start3A_423 = tpu.memref_slice %arg2[%add3A_409, %dma_start3A_422] : memref<4096x8192xf32, #tpu.memory_space<hbm>> -> memref<8x128xf32, #tpu.memory_space<hbm>>
    tpu.enqueue_dma source(%dma_start3A_423 : memref<8x128xf32, #tpu.memory_space<hbm>>) target(%dma_start3A_421 : memref<8x128xf32, #tpu.memory_space<vmem_shared>>) target_semaphore(%arg6 : memref<!tpu.dma_semaphore, #tpu.memory_space<semaphore_mem>>)
    %dma_wait3A_424 = arith.constant 1 : i32
    %dma_wait3A_425 = arith.constant 0 : i32
    %dma_wait3A_426 = arith.constant 128 : i32
    %dma_wait3A_427 = tpu.memref_slice %arg4[%arg1, %dma_wait3A_424, %dma_wait3A_425, %dma_wait3A_426] : memref<16x2x8x8192xf32, #tpu.memory_space<vmem_shared>> -> memref<1x1x8x8064xf32, #tpu.memory_space<vmem_shared>>
    %dma_wait3A_428 = tpu.memref_squeeze %dma_wait3A_427 : memref<1x1x8x8064xf32, #tpu.memory_space<vmem_shared>> -> memref<8x8064xf32, #tpu.memory_space<vmem_shared>>
    %dma_wait3A_429 = arith.constant 0 : i32
    %dma_wait3A_430 = tpu.memref_slice %arg2[%add3A_409, %dma_wait3A_429] : memref<4096x8192xf32, #tpu.memory_space<hbm>> -> memref<8x8064xf32, #tpu.memory_space<hbm>>
    tpu.wait_dma2 semaphore(%arg6 : memref<!tpu.dma_semaphore, #tpu.memory_space<semaphore_mem>>) src(%dma_wait3A_430 : memref<8x8064xf32, #tpu.memory_space<hbm>>) dst(%dma_wait3A_428 : memref<8x8064xf32, #tpu.memory_space<vmem_shared>>)
    %dma_wait3A_431 = arith.constant 1 : i32
    %dma_wait3A_432 = arith.constant 0 : i32
    %dma_wait3A_433 = arith.constant 0 : i32
    %dma_wait3A_434 = tpu.memref_slice %arg4[%arg1, %dma_wait3A_431, %dma_wait3A_432, %dma_wait3A_433] : memref<16x2x8x8192xf32, #tpu.memory_space<vmem_shared>> -> memref<1x1x8x128xf32, #tpu.memory_space<vmem_shared>>
    %dma_wait3A_435 = tpu.memref_squeeze %dma_wait3A_434 : memref<1x1x8x128xf32, #tpu.memory_space<vmem_shared>> -> memref<8x128xf32, #tpu.memory_space<vmem_shared>>
    %dma_wait3A_436 = arith.constant 8064 : i32
    %dma_wait3A_437 = tpu.memref_slice %arg2[%add3A_409, %dma_wait3A_436] : memref<4096x8192xf32, #tpu.memory_space<hbm>> -> memref<8x128xf32, #tpu.memory_space<hbm>>
    tpu.wait_dma2 semaphore(%arg6 : memref<!tpu.dma_semaphore, #tpu.memory_space<semaphore_mem>>) src(%dma_wait3A_437 : memref<8x128xf32, #tpu.memory_space<hbm>>) dst(%dma_wait3A_435 : memref<8x128xf32, #tpu.memory_space<vmem_shared>>)
    %add3A_438 = arith.constant 72 : i32
    %add3A_439 = arith.addi %mul3A_2, %add3A_438 : i32
    %dma_start3A_440 = arith.constant 1 : i32
    %dma_start3A_441 = arith.constant 0 : i32
    %dma_start3A_442 = tpu.memref_slice %arg3[%add3A_439, %dma_start3A_441] : memref<4096x8192xf32, #tpu.memory_space<hbm>> -> memref<8x8192xf32, #tpu.memory_space<hbm>>
    %dma_start3A_443 = arith.constant 0 : i32
    %dma_start3A_444 = arith.constant 0 : i32
    %dma_start3A_445 = tpu.memref_slice %arg4[%arg1, %dma_start3A_440, %dma_start3A_443, %dma_start3A_444] : memref<16x2x8x8192xf32, #tpu.memory_space<vmem_shared>> -> memref<1x1x8x8192xf32, #tpu.memory_space<vmem_shared>>
    %dma_start3A_446 = tpu.memref_squeeze %dma_start3A_445 : memref<1x1x8x8192xf32, #tpu.memory_space<vmem_shared>> -> memref<8x8192xf32, #tpu.memory_space<vmem_shared>>
    tpu.enqueue_dma source(%dma_start3A_446 : memref<8x8192xf32, #tpu.memory_space<vmem_shared>>) target(%dma_start3A_442 : memref<8x8192xf32, #tpu.memory_space<hbm>>) target_semaphore(%arg8 : memref<!tpu.dma_semaphore, #tpu.memory_space<semaphore_mem>>)
    %dma_wait3A_447 = arith.constant 0 : i32
    %dma_wait3A_448 = arith.constant 0 : i32
    %dma_wait3A_449 = tpu.memref_slice %arg3[%add3A_393, %dma_wait3A_448] : memref<4096x8192xf32, #tpu.memory_space<hbm>> -> memref<8x8192xf32, #tpu.memory_space<hbm>>
    %dma_wait3A_450 = arith.constant 0 : i32
    %dma_wait3A_451 = arith.constant 0 : i32
    %dma_wait3A_452 = tpu.memref_slice %arg4[%arg1, %dma_wait3A_447, %dma_wait3A_450, %dma_wait3A_451] : memref<16x2x8x8192xf32, #tpu.memory_space<vmem_shared>> -> memref<1x1x8x8192xf32, #tpu.memory_space<vmem_shared>>
    %dma_wait3A_453 = tpu.memref_squeeze %dma_wait3A_452 : memref<1x1x8x8192xf32, #tpu.memory_space<vmem_shared>> -> memref<8x8192xf32, #tpu.memory_space<vmem_shared>>
    tpu.wait_dma2 semaphore(%arg7 : memref<!tpu.dma_semaphore, #tpu.memory_space<semaphore_mem>>) src(%dma_wait3A_453 : memref<8x8192xf32, #tpu.memory_space<vmem_shared>>) dst(%dma_wait3A_449 : memref<8x8192xf32, #tpu.memory_space<hbm>>)
    %add3A_454 = arith.constant 80 : i32
    %add3A_455 = arith.addi %mul3A_2, %add3A_454 : i32
    %dma_start3A_456 = arith.constant 0 : i32
    %dma_start3A_457 = arith.constant 0 : i32
    %dma_start3A_458 = arith.constant 128 : i32
    %dma_start3A_459 = tpu.memref_slice %arg4[%arg1, %dma_start3A_456, %dma_start3A_457, %dma_start3A_458] : memref<16x2x8x8192xf32, #tpu.memory_space<vmem_shared>> -> memref<1x1x8x8064xf32, #tpu.memory_space<vmem_shared>>
    %dma_start3A_460 = tpu.memref_squeeze %dma_start3A_459 : memref<1x1x8x8064xf32, #tpu.memory_space<vmem_shared>> -> memref<8x8064xf32, #tpu.memory_space<vmem_shared>>
    %dma_start3A_461 = arith.constant 0 : i32
    %dma_start3A_462 = tpu.memref_slice %arg2[%add3A_455, %dma_start3A_461] : memref<4096x8192xf32, #tpu.memory_space<hbm>> -> memref<8x8064xf32, #tpu.memory_space<hbm>>
    tpu.enqueue_dma source(%dma_start3A_462 : memref<8x8064xf32, #tpu.memory_space<hbm>>) target(%dma_start3A_460 : memref<8x8064xf32, #tpu.memory_space<vmem_shared>>) target_semaphore(%arg5 : memref<!tpu.dma_semaphore, #tpu.memory_space<semaphore_mem>>)
    %dma_start3A_463 = arith.constant 0 : i32
    %dma_start3A_464 = arith.constant 0 : i32
    %dma_start3A_465 = arith.constant 0 : i32
    %dma_start3A_466 = tpu.memref_slice %arg4[%arg1, %dma_start3A_463, %dma_start3A_464, %dma_start3A_465] : memref<16x2x8x8192xf32, #tpu.memory_space<vmem_shared>> -> memref<1x1x8x128xf32, #tpu.memory_space<vmem_shared>>
    %dma_start3A_467 = tpu.memref_squeeze %dma_start3A_466 : memref<1x1x8x128xf32, #tpu.memory_space<vmem_shared>> -> memref<8x128xf32, #tpu.memory_space<vmem_shared>>
    %dma_start3A_468 = arith.constant 8064 : i32
    %dma_start3A_469 = tpu.memref_slice %arg2[%add3A_455, %dma_start3A_468] : memref<4096x8192xf32, #tpu.memory_space<hbm>> -> memref<8x128xf32, #tpu.memory_space<hbm>>
    tpu.enqueue_dma source(%dma_start3A_469 : memref<8x128xf32, #tpu.memory_space<hbm>>) target(%dma_start3A_467 : memref<8x128xf32, #tpu.memory_space<vmem_shared>>) target_semaphore(%arg5 : memref<!tpu.dma_semaphore, #tpu.memory_space<semaphore_mem>>)
    %dma_wait3A_470 = arith.constant 0 : i32
    %dma_wait3A_471 = arith.constant 0 : i32
    %dma_wait3A_472 = arith.constant 128 : i32
    %dma_wait3A_473 = tpu.memref_slice %arg4[%arg1, %dma_wait3A_470, %dma_wait3A_471, %dma_wait3A_472] : memref<16x2x8x8192xf32, #tpu.memory_space<vmem_shared>> -> memref<1x1x8x8064xf32, #tpu.memory_space<vmem_shared>>
    %dma_wait3A_474 = tpu.memref_squeeze %dma_wait3A_473 : memref<1x1x8x8064xf32, #tpu.memory_space<vmem_shared>> -> memref<8x8064xf32, #tpu.memory_space<vmem_shared>>
    %dma_wait3A_475 = arith.constant 0 : i32
    %dma_wait3A_476 = tpu.memref_slice %arg2[%add3A_455, %dma_wait3A_475] : memref<4096x8192xf32, #tpu.memory_space<hbm>> -> memref<8x8064xf32, #tpu.memory_space<hbm>>
    tpu.wait_dma2 semaphore(%arg5 : memref<!tpu.dma_semaphore, #tpu.memory_space<semaphore_mem>>) src(%dma_wait3A_476 : memref<8x8064xf32, #tpu.memory_space<hbm>>) dst(%dma_wait3A_474 : memref<8x8064xf32, #tpu.memory_space<vmem_shared>>)
    %dma_wait3A_477 = arith.constant 0 : i32
    %dma_wait3A_478 = arith.constant 0 : i32
    %dma_wait3A_479 = arith.constant 0 : i32
    %dma_wait3A_480 = tpu.memref_slice %arg4[%arg1, %dma_wait3A_477, %dma_wait3A_478, %dma_wait3A_479] : memref<16x2x8x8192xf32, #tpu.memory_space<vmem_shared>> -> memref<1x1x8x128xf32, #tpu.memory_space<vmem_shared>>
    %dma_wait3A_481 = tpu.memref_squeeze %dma_wait3A_480 : memref<1x1x8x128xf32, #tpu.memory_space<vmem_shared>> -> memref<8x128xf32, #tpu.memory_space<vmem_shared>>
    %dma_wait3A_482 = arith.constant 8064 : i32
    %dma_wait3A_483 = tpu.memref_slice %arg2[%add3A_455, %dma_wait3A_482] : memref<4096x8192xf32, #tpu.memory_space<hbm>> -> memref<8x128xf32, #tpu.memory_space<hbm>>
    tpu.wait_dma2 semaphore(%arg5 : memref<!tpu.dma_semaphore, #tpu.memory_space<semaphore_mem>>) src(%dma_wait3A_483 : memref<8x128xf32, #tpu.memory_space<hbm>>) dst(%dma_wait3A_481 : memref<8x128xf32, #tpu.memory_space<vmem_shared>>)
    %add3A_484 = arith.constant 80 : i32
    %add3A_485 = arith.addi %mul3A_2, %add3A_484 : i32
    %dma_start3A_486 = arith.constant 0 : i32
    %dma_start3A_487 = arith.constant 0 : i32
    %dma_start3A_488 = tpu.memref_slice %arg3[%add3A_485, %dma_start3A_487] : memref<4096x8192xf32, #tpu.memory_space<hbm>> -> memref<8x8192xf32, #tpu.memory_space<hbm>>
    %dma_start3A_489 = arith.constant 0 : i32
    %dma_start3A_490 = arith.constant 0 : i32
    %dma_start3A_491 = tpu.memref_slice %arg4[%arg1, %dma_start3A_486, %dma_start3A_489, %dma_start3A_490] : memref<16x2x8x8192xf32, #tpu.memory_space<vmem_shared>> -> memref<1x1x8x8192xf32, #tpu.memory_space<vmem_shared>>
    %dma_start3A_492 = tpu.memref_squeeze %dma_start3A_491 : memref<1x1x8x8192xf32, #tpu.memory_space<vmem_shared>> -> memref<8x8192xf32, #tpu.memory_space<vmem_shared>>
    tpu.enqueue_dma source(%dma_start3A_492 : memref<8x8192xf32, #tpu.memory_space<vmem_shared>>) target(%dma_start3A_488 : memref<8x8192xf32, #tpu.memory_space<hbm>>) target_semaphore(%arg7 : memref<!tpu.dma_semaphore, #tpu.memory_space<semaphore_mem>>)
    %dma_wait3A_493 = arith.constant 1 : i32
    %dma_wait3A_494 = arith.constant 0 : i32
    %dma_wait3A_495 = tpu.memref_slice %arg3[%add3A_439, %dma_wait3A_494] : memref<4096x8192xf32, #tpu.memory_space<hbm>> -> memref<8x8192xf32, #tpu.memory_space<hbm>>
    %dma_wait3A_496 = arith.constant 0 : i32
    %dma_wait3A_497 = arith.constant 0 : i32
    %dma_wait3A_498 = tpu.memref_slice %arg4[%arg1, %dma_wait3A_493, %dma_wait3A_496, %dma_wait3A_497] : memref<16x2x8x8192xf32, #tpu.memory_space<vmem_shared>> -> memref<1x1x8x8192xf32, #tpu.memory_space<vmem_shared>>
    %dma_wait3A_499 = tpu.memref_squeeze %dma_wait3A_498 : memref<1x1x8x8192xf32, #tpu.memory_space<vmem_shared>> -> memref<8x8192xf32, #tpu.memory_space<vmem_shared>>
    tpu.wait_dma2 semaphore(%arg8 : memref<!tpu.dma_semaphore, #tpu.memory_space<semaphore_mem>>) src(%dma_wait3A_499 : memref<8x8192xf32, #tpu.memory_space<vmem_shared>>) dst(%dma_wait3A_495 : memref<8x8192xf32, #tpu.memory_space<hbm>>)
    %add3A_500 = arith.constant 88 : i32
    %add3A_501 = arith.addi %mul3A_2, %add3A_500 : i32
    %dma_start3A_502 = arith.constant 1 : i32
    %dma_start3A_503 = arith.constant 0 : i32
    %dma_start3A_504 = arith.constant 128 : i32
    %dma_start3A_505 = tpu.memref_slice %arg4[%arg1, %dma_start3A_502, %dma_start3A_503, %dma_start3A_504] : memref<16x2x8x8192xf32, #tpu.memory_space<vmem_shared>> -> memref<1x1x8x8064xf32, #tpu.memory_space<vmem_shared>>
    %dma_start3A_506 = tpu.memref_squeeze %dma_start3A_505 : memref<1x1x8x8064xf32, #tpu.memory_space<vmem_shared>> -> memref<8x8064xf32, #tpu.memory_space<vmem_shared>>
    %dma_start3A_507 = arith.constant 0 : i32
    %dma_start3A_508 = tpu.memref_slice %arg2[%add3A_501, %dma_start3A_507] : memref<4096x8192xf32, #tpu.memory_space<hbm>> -> memref<8x8064xf32, #tpu.memory_space<hbm>>
    tpu.enqueue_dma source(%dma_start3A_508 : memref<8x8064xf32, #tpu.memory_space<hbm>>) target(%dma_start3A_506 : memref<8x8064xf32, #tpu.memory_space<vmem_shared>>) target_semaphore(%arg6 : memref<!tpu.dma_semaphore, #tpu.memory_space<semaphore_mem>>)
    %dma_start3A_509 = arith.constant 1 : i32
    %dma_start3A_510 = arith.constant 0 : i32
    %dma_start3A_511 = arith.constant 0 : i32
    %dma_start3A_512 = tpu.memref_slice %arg4[%arg1, %dma_start3A_509, %dma_start3A_510, %dma_start3A_511] : memref<16x2x8x8192xf32, #tpu.memory_space<vmem_shared>> -> memref<1x1x8x128xf32, #tpu.memory_space<vmem_shared>>
    %dma_start3A_513 = tpu.memref_squeeze %dma_start3A_512 : memref<1x1x8x128xf32, #tpu.memory_space<vmem_shared>> -> memref<8x128xf32, #tpu.memory_space<vmem_shared>>
    %dma_start3A_514 = arith.constant 8064 : i32
    %dma_start3A_515 = tpu.memref_slice %arg2[%add3A_501, %dma_start3A_514] : memref<4096x8192xf32, #tpu.memory_space<hbm>> -> memref<8x128xf32, #tpu.memory_space<hbm>>
    tpu.enqueue_dma source(%dma_start3A_515 : memref<8x128xf32, #tpu.memory_space<hbm>>) target(%dma_start3A_513 : memref<8x128xf32, #tpu.memory_space<vmem_shared>>) target_semaphore(%arg6 : memref<!tpu.dma_semaphore, #tpu.memory_space<semaphore_mem>>)
    %dma_wait3A_516 = arith.constant 1 : i32
    %dma_wait3A_517 = arith.constant 0 : i32
    %dma_wait3A_518 = arith.constant 128 : i32
    %dma_wait3A_519 = tpu.memref_slice %arg4[%arg1, %dma_wait3A_516, %dma_wait3A_517, %dma_wait3A_518] : memref<16x2x8x8192xf32, #tpu.memory_space<vmem_shared>> -> memref<1x1x8x8064xf32, #tpu.memory_space<vmem_shared>>
    %dma_wait3A_520 = tpu.memref_squeeze %dma_wait3A_519 : memref<1x1x8x8064xf32, #tpu.memory_space<vmem_shared>> -> memref<8x8064xf32, #tpu.memory_space<vmem_shared>>
    %dma_wait3A_521 = arith.constant 0 : i32
    %dma_wait3A_522 = tpu.memref_slice %arg2[%add3A_501, %dma_wait3A_521] : memref<4096x8192xf32, #tpu.memory_space<hbm>> -> memref<8x8064xf32, #tpu.memory_space<hbm>>
    tpu.wait_dma2 semaphore(%arg6 : memref<!tpu.dma_semaphore, #tpu.memory_space<semaphore_mem>>) src(%dma_wait3A_522 : memref<8x8064xf32, #tpu.memory_space<hbm>>) dst(%dma_wait3A_520 : memref<8x8064xf32, #tpu.memory_space<vmem_shared>>)
    %dma_wait3A_523 = arith.constant 1 : i32
    %dma_wait3A_524 = arith.constant 0 : i32
    %dma_wait3A_525 = arith.constant 0 : i32
    %dma_wait3A_526 = tpu.memref_slice %arg4[%arg1, %dma_wait3A_523, %dma_wait3A_524, %dma_wait3A_525] : memref<16x2x8x8192xf32, #tpu.memory_space<vmem_shared>> -> memref<1x1x8x128xf32, #tpu.memory_space<vmem_shared>>
    %dma_wait3A_527 = tpu.memref_squeeze %dma_wait3A_526 : memref<1x1x8x128xf32, #tpu.memory_space<vmem_shared>> -> memref<8x128xf32, #tpu.memory_space<vmem_shared>>
    %dma_wait3A_528 = arith.constant 8064 : i32
    %dma_wait3A_529 = tpu.memref_slice %arg2[%add3A_501, %dma_wait3A_528] : memref<4096x8192xf32, #tpu.memory_space<hbm>> -> memref<8x128xf32, #tpu.memory_space<hbm>>
    tpu.wait_dma2 semaphore(%arg6 : memref<!tpu.dma_semaphore, #tpu.memory_space<semaphore_mem>>) src(%dma_wait3A_529 : memref<8x128xf32, #tpu.memory_space<hbm>>) dst(%dma_wait3A_527 : memref<8x128xf32, #tpu.memory_space<vmem_shared>>)
    %add3A_530 = arith.constant 88 : i32
    %add3A_531 = arith.addi %mul3A_2, %add3A_530 : i32
    %dma_start3A_532 = arith.constant 1 : i32
    %dma_start3A_533 = arith.constant 0 : i32
    %dma_start3A_534 = tpu.memref_slice %arg3[%add3A_531, %dma_start3A_533] : memref<4096x8192xf32, #tpu.memory_space<hbm>> -> memref<8x8192xf32, #tpu.memory_space<hbm>>
    %dma_start3A_535 = arith.constant 0 : i32
    %dma_start3A_536 = arith.constant 0 : i32
    %dma_start3A_537 = tpu.memref_slice %arg4[%arg1, %dma_start3A_532, %dma_start3A_535, %dma_start3A_536] : memref<16x2x8x8192xf32, #tpu.memory_space<vmem_shared>> -> memref<1x1x8x8192xf32, #tpu.memory_space<vmem_shared>>
    %dma_start3A_538 = tpu.memref_squeeze %dma_start3A_537 : memref<1x1x8x8192xf32, #tpu.memory_space<vmem_shared>> -> memref<8x8192xf32, #tpu.memory_space<vmem_shared>>
    tpu.enqueue_dma source(%dma_start3A_538 : memref<8x8192xf32, #tpu.memory_space<vmem_shared>>) target(%dma_start3A_534 : memref<8x8192xf32, #tpu.memory_space<hbm>>) target_semaphore(%arg8 : memref<!tpu.dma_semaphore, #tpu.memory_space<semaphore_mem>>)
    %dma_wait3A_539 = arith.constant 0 : i32
    %dma_wait3A_540 = arith.constant 0 : i32
    %dma_wait3A_541 = tpu.memref_slice %arg3[%add3A_485, %dma_wait3A_540] : memref<4096x8192xf32, #tpu.memory_space<hbm>> -> memref<8x8192xf32, #tpu.memory_space<hbm>>
    %dma_wait3A_542 = arith.constant 0 : i32
    %dma_wait3A_543 = arith.constant 0 : i32
    %dma_wait3A_544 = tpu.memref_slice %arg4[%arg1, %dma_wait3A_539, %dma_wait3A_542, %dma_wait3A_543] : memref<16x2x8x8192xf32, #tpu.memory_space<vmem_shared>> -> memref<1x1x8x8192xf32, #tpu.memory_space<vmem_shared>>
    %dma_wait3A_545 = tpu.memref_squeeze %dma_wait3A_544 : memref<1x1x8x8192xf32, #tpu.memory_space<vmem_shared>> -> memref<8x8192xf32, #tpu.memory_space<vmem_shared>>
    tpu.wait_dma2 semaphore(%arg7 : memref<!tpu.dma_semaphore, #tpu.memory_space<semaphore_mem>>) src(%dma_wait3A_545 : memref<8x8192xf32, #tpu.memory_space<vmem_shared>>) dst(%dma_wait3A_541 : memref<8x8192xf32, #tpu.memory_space<hbm>>)
    %add3A_546 = arith.constant 96 : i32
    %add3A_547 = arith.addi %mul3A_2, %add3A_546 : i32
    %dma_start3A_548 = arith.constant 0 : i32
    %dma_start3A_549 = arith.constant 0 : i32
    %dma_start3A_550 = arith.constant 128 : i32
    %dma_start3A_551 = tpu.memref_slice %arg4[%arg1, %dma_start3A_548, %dma_start3A_549, %dma_start3A_550] : memref<16x2x8x8192xf32, #tpu.memory_space<vmem_shared>> -> memref<1x1x8x8064xf32, #tpu.memory_space<vmem_shared>>
    %dma_start3A_552 = tpu.memref_squeeze %dma_start3A_551 : memref<1x1x8x8064xf32, #tpu.memory_space<vmem_shared>> -> memref<8x8064xf32, #tpu.memory_space<vmem_shared>>
    %dma_start3A_553 = arith.constant 0 : i32
    %dma_start3A_554 = tpu.memref_slice %arg2[%add3A_547, %dma_start3A_553] : memref<4096x8192xf32, #tpu.memory_space<hbm>> -> memref<8x8064xf32, #tpu.memory_space<hbm>>
    tpu.enqueue_dma source(%dma_start3A_554 : memref<8x8064xf32, #tpu.memory_space<hbm>>) target(%dma_start3A_552 : memref<8x8064xf32, #tpu.memory_space<vmem_shared>>) target_semaphore(%arg5 : memref<!tpu.dma_semaphore, #tpu.memory_space<semaphore_mem>>)
    %dma_start3A_555 = arith.constant 0 : i32
    %dma_start3A_556 = arith.constant 0 : i32
    %dma_start3A_557 = arith.constant 0 : i32
    %dma_start3A_558 = tpu.memref_slice %arg4[%arg1, %dma_start3A_555, %dma_start3A_556, %dma_start3A_557] : memref<16x2x8x8192xf32, #tpu.memory_space<vmem_shared>> -> memref<1x1x8x128xf32, #tpu.memory_space<vmem_shared>>
    %dma_start3A_559 = tpu.memref_squeeze %dma_start3A_558 : memref<1x1x8x128xf32, #tpu.memory_space<vmem_shared>> -> memref<8x128xf32, #tpu.memory_space<vmem_shared>>
    %dma_start3A_560 = arith.constant 8064 : i32
    %dma_start3A_561 = tpu.memref_slice %arg2[%add3A_547, %dma_start3A_560] : memref<4096x8192xf32, #tpu.memory_space<hbm>> -> memref<8x128xf32, #tpu.memory_space<hbm>>
    tpu.enqueue_dma source(%dma_start3A_561 : memref<8x128xf32, #tpu.memory_space<hbm>>) target(%dma_start3A_559 : memref<8x128xf32, #tpu.memory_space<vmem_shared>>) target_semaphore(%arg5 : memref<!tpu.dma_semaphore, #tpu.memory_space<semaphore_mem>>)
    %dma_wait3A_562 = arith.constant 0 : i32
    %dma_wait3A_563 = arith.constant 0 : i32
    %dma_wait3A_564 = arith.constant 128 : i32
    %dma_wait3A_565 = tpu.memref_slice %arg4[%arg1, %dma_wait3A_562, %dma_wait3A_563, %dma_wait3A_564] : memref<16x2x8x8192xf32, #tpu.memory_space<vmem_shared>> -> memref<1x1x8x8064xf32, #tpu.memory_space<vmem_shared>>
    %dma_wait3A_566 = tpu.memref_squeeze %dma_wait3A_565 : memref<1x1x8x8064xf32, #tpu.memory_space<vmem_shared>> -> memref<8x8064xf32, #tpu.memory_space<vmem_shared>>
    %dma_wait3A_567 = arith.constant 0 : i32
    %dma_wait3A_568 = tpu.memref_slice %arg2[%add3A_547, %dma_wait3A_567] : memref<4096x8192xf32, #tpu.memory_space<hbm>> -> memref<8x8064xf32, #tpu.memory_space<hbm>>
    tpu.wait_dma2 semaphore(%arg5 : memref<!tpu.dma_semaphore, #tpu.memory_space<semaphore_mem>>) src(%dma_wait3A_568 : memref<8x8064xf32, #tpu.memory_space<hbm>>) dst(%dma_wait3A_566 : memref<8x8064xf32, #tpu.memory_space<vmem_shared>>)
    %dma_wait3A_569 = arith.constant 0 : i32
    %dma_wait3A_570 = arith.constant 0 : i32
    %dma_wait3A_571 = arith.constant 0 : i32
    %dma_wait3A_572 = tpu.memref_slice %arg4[%arg1, %dma_wait3A_569, %dma_wait3A_570, %dma_wait3A_571] : memref<16x2x8x8192xf32, #tpu.memory_space<vmem_shared>> -> memref<1x1x8x128xf32, #tpu.memory_space<vmem_shared>>
    %dma_wait3A_573 = tpu.memref_squeeze %dma_wait3A_572 : memref<1x1x8x128xf32, #tpu.memory_space<vmem_shared>> -> memref<8x128xf32, #tpu.memory_space<vmem_shared>>
    %dma_wait3A_574 = arith.constant 8064 : i32
    %dma_wait3A_575 = tpu.memref_slice %arg2[%add3A_547, %dma_wait3A_574] : memref<4096x8192xf32, #tpu.memory_space<hbm>> -> memref<8x128xf32, #tpu.memory_space<hbm>>
    tpu.wait_dma2 semaphore(%arg5 : memref<!tpu.dma_semaphore, #tpu.memory_space<semaphore_mem>>) src(%dma_wait3A_575 : memref<8x128xf32, #tpu.memory_space<hbm>>) dst(%dma_wait3A_573 : memref<8x128xf32, #tpu.memory_space<vmem_shared>>)
    %add3A_576 = arith.constant 96 : i32
    %add3A_577 = arith.addi %mul3A_2, %add3A_576 : i32
    %dma_start3A_578 = arith.constant 0 : i32
    %dma_start3A_579 = arith.constant 0 : i32
    %dma_start3A_580 = tpu.memref_slice %arg3[%add3A_577, %dma_start3A_579] : memref<4096x8192xf32, #tpu.memory_space<hbm>> -> memref<8x8192xf32, #tpu.memory_space<hbm>>
    %dma_start3A_581 = arith.constant 0 : i32
    %dma_start3A_582 = arith.constant 0 : i32
    %dma_start3A_583 = tpu.memref_slice %arg4[%arg1, %dma_start3A_578, %dma_start3A_581, %dma_start3A_582] : memref<16x2x8x8192xf32, #tpu.memory_space<vmem_shared>> -> memref<1x1x8x8192xf32, #tpu.memory_space<vmem_shared>>
    %dma_start3A_584 = tpu.memref_squeeze %dma_start3A_583 : memref<1x1x8x8192xf32, #tpu.memory_space<vmem_shared>> -> memref<8x8192xf32, #tpu.memory_space<vmem_shared>>
    tpu.enqueue_dma source(%dma_start3A_584 : memref<8x8192xf32, #tpu.memory_space<vmem_shared>>) target(%dma_start3A_580 : memref<8x8192xf32, #tpu.memory_space<hbm>>) target_semaphore(%arg7 : memref<!tpu.dma_semaphore, #tpu.memory_space<semaphore_mem>>)
    %dma_wait3A_585 = arith.constant 1 : i32
    %dma_wait3A_586 = arith.constant 0 : i32
    %dma_wait3A_587 = tpu.memref_slice %arg3[%add3A_531, %dma_wait3A_586] : memref<4096x8192xf32, #tpu.memory_space<hbm>> -> memref<8x8192xf32, #tpu.memory_space<hbm>>
    %dma_wait3A_588 = arith.constant 0 : i32
    %dma_wait3A_589 = arith.constant 0 : i32
    %dma_wait3A_590 = tpu.memref_slice %arg4[%arg1, %dma_wait3A_585, %dma_wait3A_588, %dma_wait3A_589] : memref<16x2x8x8192xf32, #tpu.memory_space<vmem_shared>> -> memref<1x1x8x8192xf32, #tpu.memory_space<vmem_shared>>
    %dma_wait3A_591 = tpu.memref_squeeze %dma_wait3A_590 : memref<1x1x8x8192xf32, #tpu.memory_space<vmem_shared>> -> memref<8x8192xf32, #tpu.memory_space<vmem_shared>>
    tpu.wait_dma2 semaphore(%arg8 : memref<!tpu.dma_semaphore, #tpu.memory_space<semaphore_mem>>) src(%dma_wait3A_591 : memref<8x8192xf32, #tpu.memory_space<vmem_shared>>) dst(%dma_wait3A_587 : memref<8x8192xf32, #tpu.memory_space<hbm>>)
    %add3A_592 = arith.constant 104 : i32
    %add3A_593 = arith.addi %mul3A_2, %add3A_592 : i32
    %dma_start3A_594 = arith.constant 1 : i32
    %dma_start3A_595 = arith.constant 0 : i32
    %dma_start3A_596 = arith.constant 128 : i32
    %dma_start3A_597 = tpu.memref_slice %arg4[%arg1, %dma_start3A_594, %dma_start3A_595, %dma_start3A_596] : memref<16x2x8x8192xf32, #tpu.memory_space<vmem_shared>> -> memref<1x1x8x8064xf32, #tpu.memory_space<vmem_shared>>
    %dma_start3A_598 = tpu.memref_squeeze %dma_start3A_597 : memref<1x1x8x8064xf32, #tpu.memory_space<vmem_shared>> -> memref<8x8064xf32, #tpu.memory_space<vmem_shared>>
    %dma_start3A_599 = arith.constant 0 : i32
    %dma_start3A_600 = tpu.memref_slice %arg2[%add3A_593, %dma_start3A_599] : memref<4096x8192xf32, #tpu.memory_space<hbm>> -> memref<8x8064xf32, #tpu.memory_space<hbm>>
    tpu.enqueue_dma source(%dma_start3A_600 : memref<8x8064xf32, #tpu.memory_space<hbm>>) target(%dma_start3A_598 : memref<8x8064xf32, #tpu.memory_space<vmem_shared>>) target_semaphore(%arg6 : memref<!tpu.dma_semaphore, #tpu.memory_space<semaphore_mem>>)
    %dma_start3A_601 = arith.constant 1 : i32
    %dma_start3A_602 = arith.constant 0 : i32
    %dma_start3A_603 = arith.constant 0 : i32
    %dma_start3A_604 = tpu.memref_slice %arg4[%arg1, %dma_start3A_601, %dma_start3A_602, %dma_start3A_603] : memref<16x2x8x8192xf32, #tpu.memory_space<vmem_shared>> -> memref<1x1x8x128xf32, #tpu.memory_space<vmem_shared>>
    %dma_start3A_605 = tpu.memref_squeeze %dma_start3A_604 : memref<1x1x8x128xf32, #tpu.memory_space<vmem_shared>> -> memref<8x128xf32, #tpu.memory_space<vmem_shared>>
    %dma_start3A_606 = arith.constant 8064 : i32
    %dma_start3A_607 = tpu.memref_slice %arg2[%add3A_593, %dma_start3A_606] : memref<4096x8192xf32, #tpu.memory_space<hbm>> -> memref<8x128xf32, #tpu.memory_space<hbm>>
    tpu.enqueue_dma source(%dma_start3A_607 : memref<8x128xf32, #tpu.memory_space<hbm>>) target(%dma_start3A_605 : memref<8x128xf32, #tpu.memory_space<vmem_shared>>) target_semaphore(%arg6 : memref<!tpu.dma_semaphore, #tpu.memory_space<semaphore_mem>>)
    %dma_wait3A_608 = arith.constant 1 : i32
    %dma_wait3A_609 = arith.constant 0 : i32
    %dma_wait3A_610 = arith.constant 128 : i32
    %dma_wait3A_611 = tpu.memref_slice %arg4[%arg1, %dma_wait3A_608, %dma_wait3A_609, %dma_wait3A_610] : memref<16x2x8x8192xf32, #tpu.memory_space<vmem_shared>> -> memref<1x1x8x8064xf32, #tpu.memory_space<vmem_shared>>
    %dma_wait3A_612 = tpu.memref_squeeze %dma_wait3A_611 : memref<1x1x8x8064xf32, #tpu.memory_space<vmem_shared>> -> memref<8x8064xf32, #tpu.memory_space<vmem_shared>>
    %dma_wait3A_613 = arith.constant 0 : i32
    %dma_wait3A_614 = tpu.memref_slice %arg2[%add3A_593, %dma_wait3A_613] : memref<4096x8192xf32, #tpu.memory_space<hbm>> -> memref<8x8064xf32, #tpu.memory_space<hbm>>
    tpu.wait_dma2 semaphore(%arg6 : memref<!tpu.dma_semaphore, #tpu.memory_space<semaphore_mem>>) src(%dma_wait3A_614 : memref<8x8064xf32, #tpu.memory_space<hbm>>) dst(%dma_wait3A_612 : memref<8x8064xf32, #tpu.memory_space<vmem_shared>>)
    %dma_wait3A_615 = arith.constant 1 : i32
    %dma_wait3A_616 = arith.constant 0 : i32
    %dma_wait3A_617 = arith.constant 0 : i32
    %dma_wait3A_618 = tpu.memref_slice %arg4[%arg1, %dma_wait3A_615, %dma_wait3A_616, %dma_wait3A_617] : memref<16x2x8x8192xf32, #tpu.memory_space<vmem_shared>> -> memref<1x1x8x128xf32, #tpu.memory_space<vmem_shared>>
    %dma_wait3A_619 = tpu.memref_squeeze %dma_wait3A_618 : memref<1x1x8x128xf32, #tpu.memory_space<vmem_shared>> -> memref<8x128xf32, #tpu.memory_space<vmem_shared>>
    %dma_wait3A_620 = arith.constant 8064 : i32
    %dma_wait3A_621 = tpu.memref_slice %arg2[%add3A_593, %dma_wait3A_620] : memref<4096x8192xf32, #tpu.memory_space<hbm>> -> memref<8x128xf32, #tpu.memory_space<hbm>>
    tpu.wait_dma2 semaphore(%arg6 : memref<!tpu.dma_semaphore, #tpu.memory_space<semaphore_mem>>) src(%dma_wait3A_621 : memref<8x128xf32, #tpu.memory_space<hbm>>) dst(%dma_wait3A_619 : memref<8x128xf32, #tpu.memory_space<vmem_shared>>)
    %add3A_622 = arith.constant 104 : i32
    %add3A_623 = arith.addi %mul3A_2, %add3A_622 : i32
    %dma_start3A_624 = arith.constant 1 : i32
    %dma_start3A_625 = arith.constant 0 : i32
    %dma_start3A_626 = tpu.memref_slice %arg3[%add3A_623, %dma_start3A_625] : memref<4096x8192xf32, #tpu.memory_space<hbm>> -> memref<8x8192xf32, #tpu.memory_space<hbm>>
    %dma_start3A_627 = arith.constant 0 : i32
    %dma_start3A_628 = arith.constant 0 : i32
    %dma_start3A_629 = tpu.memref_slice %arg4[%arg1, %dma_start3A_624, %dma_start3A_627, %dma_start3A_628] : memref<16x2x8x8192xf32, #tpu.memory_space<vmem_shared>> -> memref<1x1x8x8192xf32, #tpu.memory_space<vmem_shared>>
    %dma_start3A_630 = tpu.memref_squeeze %dma_start3A_629 : memref<1x1x8x8192xf32, #tpu.memory_space<vmem_shared>> -> memref<8x8192xf32, #tpu.memory_space<vmem_shared>>
    tpu.enqueue_dma source(%dma_start3A_630 : memref<8x8192xf32, #tpu.memory_space<vmem_shared>>) target(%dma_start3A_626 : memref<8x8192xf32, #tpu.memory_space<hbm>>) target_semaphore(%arg8 : memref<!tpu.dma_semaphore, #tpu.memory_space<semaphore_mem>>)
    %dma_wait3A_631 = arith.constant 0 : i32
    %dma_wait3A_632 = arith.constant 0 : i32
    %dma_wait3A_633 = tpu.memref_slice %arg3[%add3A_577, %dma_wait3A_632] : memref<4096x8192xf32, #tpu.memory_space<hbm>> -> memref<8x8192xf32, #tpu.memory_space<hbm>>
    %dma_wait3A_634 = arith.constant 0 : i32
    %dma_wait3A_635 = arith.constant 0 : i32
    %dma_wait3A_636 = tpu.memref_slice %arg4[%arg1, %dma_wait3A_631, %dma_wait3A_634, %dma_wait3A_635] : memref<16x2x8x8192xf32, #tpu.memory_space<vmem_shared>> -> memref<1x1x8x8192xf32, #tpu.memory_space<vmem_shared>>
    %dma_wait3A_637 = tpu.memref_squeeze %dma_wait3A_636 : memref<1x1x8x8192xf32, #tpu.memory_space<vmem_shared>> -> memref<8x8192xf32, #tpu.memory_space<vmem_shared>>
    tpu.wait_dma2 semaphore(%arg7 : memref<!tpu.dma_semaphore, #tpu.memory_space<semaphore_mem>>) src(%dma_wait3A_637 : memref<8x8192xf32, #tpu.memory_space<vmem_shared>>) dst(%dma_wait3A_633 : memref<8x8192xf32, #tpu.memory_space<hbm>>)
    %add3A_638 = arith.constant 112 : i32
    %add3A_639 = arith.addi %mul3A_2, %add3A_638 : i32
    %dma_start3A_640 = arith.constant 0 : i32
    %dma_start3A_641 = arith.constant 0 : i32
    %dma_start3A_642 = arith.constant 128 : i32
    %dma_start3A_643 = tpu.memref_slice %arg4[%arg1, %dma_start3A_640, %dma_start3A_641, %dma_start3A_642] : memref<16x2x8x8192xf32, #tpu.memory_space<vmem_shared>> -> memref<1x1x8x8064xf32, #tpu.memory_space<vmem_shared>>
    %dma_start3A_644 = tpu.memref_squeeze %dma_start3A_643 : memref<1x1x8x8064xf32, #tpu.memory_space<vmem_shared>> -> memref<8x8064xf32, #tpu.memory_space<vmem_shared>>
    %dma_start3A_645 = arith.constant 0 : i32
    %dma_start3A_646 = tpu.memref_slice %arg2[%add3A_639, %dma_start3A_645] : memref<4096x8192xf32, #tpu.memory_space<hbm>> -> memref<8x8064xf32, #tpu.memory_space<hbm>>
    tpu.enqueue_dma source(%dma_start3A_646 : memref<8x8064xf32, #tpu.memory_space<hbm>>) target(%dma_start3A_644 : memref<8x8064xf32, #tpu.memory_space<vmem_shared>>) target_semaphore(%arg5 : memref<!tpu.dma_semaphore, #tpu.memory_space<semaphore_mem>>)
    %dma_start3A_647 = arith.constant 0 : i32
    %dma_start3A_648 = arith.constant 0 : i32
    %dma_start3A_649 = arith.constant 0 : i32
    %dma_start3A_650 = tpu.memref_slice %arg4[%arg1, %dma_start3A_647, %dma_start3A_648, %dma_start3A_649] : memref<16x2x8x8192xf32, #tpu.memory_space<vmem_shared>> -> memref<1x1x8x128xf32, #tpu.memory_space<vmem_shared>>
    %dma_start3A_651 = tpu.memref_squeeze %dma_start3A_650 : memref<1x1x8x128xf32, #tpu.memory_space<vmem_shared>> -> memref<8x128xf32, #tpu.memory_space<vmem_shared>>
    %dma_start3A_652 = arith.constant 8064 : i32
    %dma_start3A_653 = tpu.memref_slice %arg2[%add3A_639, %dma_start3A_652] : memref<4096x8192xf32, #tpu.memory_space<hbm>> -> memref<8x128xf32, #tpu.memory_space<hbm>>
    tpu.enqueue_dma source(%dma_start3A_653 : memref<8x128xf32, #tpu.memory_space<hbm>>) target(%dma_start3A_651 : memref<8x128xf32, #tpu.memory_space<vmem_shared>>) target_semaphore(%arg5 : memref<!tpu.dma_semaphore, #tpu.memory_space<semaphore_mem>>)
    %dma_wait3A_654 = arith.constant 0 : i32
    %dma_wait3A_655 = arith.constant 0 : i32
    %dma_wait3A_656 = arith.constant 128 : i32
    %dma_wait3A_657 = tpu.memref_slice %arg4[%arg1, %dma_wait3A_654, %dma_wait3A_655, %dma_wait3A_656] : memref<16x2x8x8192xf32, #tpu.memory_space<vmem_shared>> -> memref<1x1x8x8064xf32, #tpu.memory_space<vmem_shared>>
    %dma_wait3A_658 = tpu.memref_squeeze %dma_wait3A_657 : memref<1x1x8x8064xf32, #tpu.memory_space<vmem_shared>> -> memref<8x8064xf32, #tpu.memory_space<vmem_shared>>
    %dma_wait3A_659 = arith.constant 0 : i32
    %dma_wait3A_660 = tpu.memref_slice %arg2[%add3A_639, %dma_wait3A_659] : memref<4096x8192xf32, #tpu.memory_space<hbm>> -> memref<8x8064xf32, #tpu.memory_space<hbm>>
    tpu.wait_dma2 semaphore(%arg5 : memref<!tpu.dma_semaphore, #tpu.memory_space<semaphore_mem>>) src(%dma_wait3A_660 : memref<8x8064xf32, #tpu.memory_space<hbm>>) dst(%dma_wait3A_658 : memref<8x8064xf32, #tpu.memory_space<vmem_shared>>)
    %dma_wait3A_661 = arith.constant 0 : i32
    %dma_wait3A_662 = arith.constant 0 : i32
    %dma_wait3A_663 = arith.constant 0 : i32
    %dma_wait3A_664 = tpu.memref_slice %arg4[%arg1, %dma_wait3A_661, %dma_wait3A_662, %dma_wait3A_663] : memref<16x2x8x8192xf32, #tpu.memory_space<vmem_shared>> -> memref<1x1x8x128xf32, #tpu.memory_space<vmem_shared>>
    %dma_wait3A_665 = tpu.memref_squeeze %dma_wait3A_664 : memref<1x1x8x128xf32, #tpu.memory_space<vmem_shared>> -> memref<8x128xf32, #tpu.memory_space<vmem_shared>>
    %dma_wait3A_666 = arith.constant 8064 : i32
    %dma_wait3A_667 = tpu.memref_slice %arg2[%add3A_639, %dma_wait3A_666] : memref<4096x8192xf32, #tpu.memory_space<hbm>> -> memref<8x128xf32, #tpu.memory_space<hbm>>
    tpu.wait_dma2 semaphore(%arg5 : memref<!tpu.dma_semaphore, #tpu.memory_space<semaphore_mem>>) src(%dma_wait3A_667 : memref<8x128xf32, #tpu.memory_space<hbm>>) dst(%dma_wait3A_665 : memref<8x128xf32, #tpu.memory_space<vmem_shared>>)
    %add3A_668 = arith.constant 112 : i32
    %add3A_669 = arith.addi %mul3A_2, %add3A_668 : i32
    %dma_start3A_670 = arith.constant 0 : i32
    %dma_start3A_671 = arith.constant 0 : i32
    %dma_start3A_672 = tpu.memref_slice %arg3[%add3A_669, %dma_start3A_671] : memref<4096x8192xf32, #tpu.memory_space<hbm>> -> memref<8x8192xf32, #tpu.memory_space<hbm>>
    %dma_start3A_673 = arith.constant 0 : i32
    %dma_start3A_674 = arith.constant 0 : i32
    %dma_start3A_675 = tpu.memref_slice %arg4[%arg1, %dma_start3A_670, %dma_start3A_673, %dma_start3A_674] : memref<16x2x8x8192xf32, #tpu.memory_space<vmem_shared>> -> memref<1x1x8x8192xf32, #tpu.memory_space<vmem_shared>>
    %dma_start3A_676 = tpu.memref_squeeze %dma_start3A_675 : memref<1x1x8x8192xf32, #tpu.memory_space<vmem_shared>> -> memref<8x8192xf32, #tpu.memory_space<vmem_shared>>
    tpu.enqueue_dma source(%dma_start3A_676 : memref<8x8192xf32, #tpu.memory_space<vmem_shared>>) target(%dma_start3A_672 : memref<8x8192xf32, #tpu.memory_space<hbm>>) target_semaphore(%arg7 : memref<!tpu.dma_semaphore, #tpu.memory_space<semaphore_mem>>)
    %dma_wait3A_677 = arith.constant 1 : i32
    %dma_wait3A_678 = arith.constant 0 : i32
    %dma_wait3A_679 = tpu.memref_slice %arg3[%add3A_623, %dma_wait3A_678] : memref<4096x8192xf32, #tpu.memory_space<hbm>> -> memref<8x8192xf32, #tpu.memory_space<hbm>>
    %dma_wait3A_680 = arith.constant 0 : i32
    %dma_wait3A_681 = arith.constant 0 : i32
    %dma_wait3A_682 = tpu.memref_slice %arg4[%arg1, %dma_wait3A_677, %dma_wait3A_680, %dma_wait3A_681] : memref<16x2x8x8192xf32, #tpu.memory_space<vmem_shared>> -> memref<1x1x8x8192xf32, #tpu.memory_space<vmem_shared>>
    %dma_wait3A_683 = tpu.memref_squeeze %dma_wait3A_682 : memref<1x1x8x8192xf32, #tpu.memory_space<vmem_shared>> -> memref<8x8192xf32, #tpu.memory_space<vmem_shared>>
    tpu.wait_dma2 semaphore(%arg8 : memref<!tpu.dma_semaphore, #tpu.memory_space<semaphore_mem>>) src(%dma_wait3A_683 : memref<8x8192xf32, #tpu.memory_space<vmem_shared>>) dst(%dma_wait3A_679 : memref<8x8192xf32, #tpu.memory_space<hbm>>)
    %add3A_684 = arith.constant 120 : i32
    %add3A_685 = arith.addi %mul3A_2, %add3A_684 : i32
    %dma_start3A_686 = arith.constant 1 : i32
    %dma_start3A_687 = arith.constant 0 : i32
    %dma_start3A_688 = arith.constant 128 : i32
    %dma_start3A_689 = tpu.memref_slice %arg4[%arg1, %dma_start3A_686, %dma_start3A_687, %dma_start3A_688] : memref<16x2x8x8192xf32, #tpu.memory_space<vmem_shared>> -> memref<1x1x8x8064xf32, #tpu.memory_space<vmem_shared>>
    %dma_start3A_690 = tpu.memref_squeeze %dma_start3A_689 : memref<1x1x8x8064xf32, #tpu.memory_space<vmem_shared>> -> memref<8x8064xf32, #tpu.memory_space<vmem_shared>>
    %dma_start3A_691 = arith.constant 0 : i32
    %dma_start3A_692 = tpu.memref_slice %arg2[%add3A_685, %dma_start3A_691] : memref<4096x8192xf32, #tpu.memory_space<hbm>> -> memref<8x8064xf32, #tpu.memory_space<hbm>>
    tpu.enqueue_dma source(%dma_start3A_692 : memref<8x8064xf32, #tpu.memory_space<hbm>>) target(%dma_start3A_690 : memref<8x8064xf32, #tpu.memory_space<vmem_shared>>) target_semaphore(%arg6 : memref<!tpu.dma_semaphore, #tpu.memory_space<semaphore_mem>>)
    %dma_start3A_693 = arith.constant 1 : i32
    %dma_start3A_694 = arith.constant 0 : i32
    %dma_start3A_695 = arith.constant 0 : i32
    %dma_start3A_696 = tpu.memref_slice %arg4[%arg1, %dma_start3A_693, %dma_start3A_694, %dma_start3A_695] : memref<16x2x8x8192xf32, #tpu.memory_space<vmem_shared>> -> memref<1x1x8x128xf32, #tpu.memory_space<vmem_shared>>
    %dma_start3A_697 = tpu.memref_squeeze %dma_start3A_696 : memref<1x1x8x128xf32, #tpu.memory_space<vmem_shared>> -> memref<8x128xf32, #tpu.memory_space<vmem_shared>>
    %dma_start3A_698 = arith.constant 8064 : i32
    %dma_start3A_699 = tpu.memref_slice %arg2[%add3A_685, %dma_start3A_698] : memref<4096x8192xf32, #tpu.memory_space<hbm>> -> memref<8x128xf32, #tpu.memory_space<hbm>>
    tpu.enqueue_dma source(%dma_start3A_699 : memref<8x128xf32, #tpu.memory_space<hbm>>) target(%dma_start3A_697 : memref<8x128xf32, #tpu.memory_space<vmem_shared>>) target_semaphore(%arg6 : memref<!tpu.dma_semaphore, #tpu.memory_space<semaphore_mem>>)
    %dma_wait3A_700 = arith.constant 1 : i32
    %dma_wait3A_701 = arith.constant 0 : i32
    %dma_wait3A_702 = arith.constant 128 : i32
    %dma_wait3A_703 = tpu.memref_slice %arg4[%arg1, %dma_wait3A_700, %dma_wait3A_701, %dma_wait3A_702] : memref<16x2x8x8192xf32, #tpu.memory_space<vmem_shared>> -> memref<1x1x8x8064xf32, #tpu.memory_space<vmem_shared>>
    %dma_wait3A_704 = tpu.memref_squeeze %dma_wait3A_703 : memref<1x1x8x8064xf32, #tpu.memory_space<vmem_shared>> -> memref<8x8064xf32, #tpu.memory_space<vmem_shared>>
    %dma_wait3A_705 = arith.constant 0 : i32
    %dma_wait3A_706 = tpu.memref_slice %arg2[%add3A_685, %dma_wait3A_705] : memref<4096x8192xf32, #tpu.memory_space<hbm>> -> memref<8x8064xf32, #tpu.memory_space<hbm>>
    tpu.wait_dma2 semaphore(%arg6 : memref<!tpu.dma_semaphore, #tpu.memory_space<semaphore_mem>>) src(%dma_wait3A_706 : memref<8x8064xf32, #tpu.memory_space<hbm>>) dst(%dma_wait3A_704 : memref<8x8064xf32, #tpu.memory_space<vmem_shared>>)
    %dma_wait3A_707 = arith.constant 1 : i32
    %dma_wait3A_708 = arith.constant 0 : i32
    %dma_wait3A_709 = arith.constant 0 : i32
    %dma_wait3A_710 = tpu.memref_slice %arg4[%arg1, %dma_wait3A_707, %dma_wait3A_708, %dma_wait3A_709] : memref<16x2x8x8192xf32, #tpu.memory_space<vmem_shared>> -> memref<1x1x8x128xf32, #tpu.memory_space<vmem_shared>>
    %dma_wait3A_711 = tpu.memref_squeeze %dma_wait3A_710 : memref<1x1x8x128xf32, #tpu.memory_space<vmem_shared>> -> memref<8x128xf32, #tpu.memory_space<vmem_shared>>
    %dma_wait3A_712 = arith.constant 8064 : i32
    %dma_wait3A_713 = tpu.memref_slice %arg2[%add3A_685, %dma_wait3A_712] : memref<4096x8192xf32, #tpu.memory_space<hbm>> -> memref<8x128xf32, #tpu.memory_space<hbm>>
    tpu.wait_dma2 semaphore(%arg6 : memref<!tpu.dma_semaphore, #tpu.memory_space<semaphore_mem>>) src(%dma_wait3A_713 : memref<8x128xf32, #tpu.memory_space<hbm>>) dst(%dma_wait3A_711 : memref<8x128xf32, #tpu.memory_space<vmem_shared>>)
    %add3A_714 = arith.constant 120 : i32
    %add3A_715 = arith.addi %mul3A_2, %add3A_714 : i32
    %dma_start3A_716 = arith.constant 1 : i32
    %dma_start3A_717 = arith.constant 0 : i32
    %dma_start3A_718 = tpu.memref_slice %arg3[%add3A_715, %dma_start3A_717] : memref<4096x8192xf32, #tpu.memory_space<hbm>> -> memref<8x8192xf32, #tpu.memory_space<hbm>>
    %dma_start3A_719 = arith.constant 0 : i32
    %dma_start3A_720 = arith.constant 0 : i32
    %dma_start3A_721 = tpu.memref_slice %arg4[%arg1, %dma_start3A_716, %dma_start3A_719, %dma_start3A_720] : memref<16x2x8x8192xf32, #tpu.memory_space<vmem_shared>> -> memref<1x1x8x8192xf32, #tpu.memory_space<vmem_shared>>
    %dma_start3A_722 = tpu.memref_squeeze %dma_start3A_721 : memref<1x1x8x8192xf32, #tpu.memory_space<vmem_shared>> -> memref<8x8192xf32, #tpu.memory_space<vmem_shared>>
    tpu.enqueue_dma source(%dma_start3A_722 : memref<8x8192xf32, #tpu.memory_space<vmem_shared>>) target(%dma_start3A_718 : memref<8x8192xf32, #tpu.memory_space<hbm>>) target_semaphore(%arg8 : memref<!tpu.dma_semaphore, #tpu.memory_space<semaphore_mem>>)
    %dma_wait3A_723 = arith.constant 0 : i32
    %dma_wait3A_724 = arith.constant 0 : i32
    %dma_wait3A_725 = tpu.memref_slice %arg3[%add3A_669, %dma_wait3A_724] : memref<4096x8192xf32, #tpu.memory_space<hbm>> -> memref<8x8192xf32, #tpu.memory_space<hbm>>
    %dma_wait3A_726 = arith.constant 0 : i32
    %dma_wait3A_727 = arith.constant 0 : i32
    %dma_wait3A_728 = tpu.memref_slice %arg4[%arg1, %dma_wait3A_723, %dma_wait3A_726, %dma_wait3A_727] : memref<16x2x8x8192xf32, #tpu.memory_space<vmem_shared>> -> memref<1x1x8x8192xf32, #tpu.memory_space<vmem_shared>>
    %dma_wait3A_729 = tpu.memref_squeeze %dma_wait3A_728 : memref<1x1x8x8192xf32, #tpu.memory_space<vmem_shared>> -> memref<8x8192xf32, #tpu.memory_space<vmem_shared>>
    tpu.wait_dma2 semaphore(%arg7 : memref<!tpu.dma_semaphore, #tpu.memory_space<semaphore_mem>>) src(%dma_wait3A_729 : memref<8x8192xf32, #tpu.memory_space<vmem_shared>>) dst(%dma_wait3A_725 : memref<8x8192xf32, #tpu.memory_space<hbm>>)
    %dma_wait3A_730 = arith.constant 1 : i32
    %dma_wait3A_731 = arith.constant 0 : i32
    %dma_wait3A_732 = tpu.memref_slice %arg3[%add3A_715, %dma_wait3A_731] : memref<4096x8192xf32, #tpu.memory_space<hbm>> -> memref<8x8192xf32, #tpu.memory_space<hbm>>
    %dma_wait3A_733 = arith.constant 0 : i32
    %dma_wait3A_734 = arith.constant 0 : i32
    %dma_wait3A_735 = tpu.memref_slice %arg4[%arg1, %dma_wait3A_730, %dma_wait3A_733, %dma_wait3A_734] : memref<16x2x8x8192xf32, #tpu.memory_space<vmem_shared>> -> memref<1x1x8x8192xf32, #tpu.memory_space<vmem_shared>>
    %dma_wait3A_736 = tpu.memref_squeeze %dma_wait3A_735 : memref<1x1x8x8192xf32, #tpu.memory_space<vmem_shared>> -> memref<8x8192xf32, #tpu.memory_space<vmem_shared>>
    tpu.wait_dma2 semaphore(%arg8 : memref<!tpu.dma_semaphore, #tpu.memory_space<semaphore_mem>>) src(%dma_wait3A_736 : memref<8x8192xf32, #tpu.memory_space<vmem_shared>>) dst(%dma_wait3A_732 : memref<8x8192xf32, #tpu.memory_space<hbm>>)
    return
  }
}

</mosaic_0001>

<sc_bundles>
// kernel: kernel.3.cloned.1.call-start
scs
__scs_entry_jumppad:
0x0: {  	(pc) =	sbr.rel $0x88, $3  }
0x1: {  	(tag) =	ssettag $0x0;
	lr =	simm.s32 $0x1  }
0x2: {  	[smem:$0x3FA0] =	sst lr;
	_ =	strace $0xD0000000  }
0x3: {  	_ = 	snop  }
0x4: {  	_ = 	snop  }
0x5: {  	_ = 	snop  }
0x6: {  	_ = 	snop  }
0x7: {  	_ = 	snop  }
__scs_overlays_trampoline_lowered:
0x8: {  	[smem:$0x3FAF] =	sst s0  }
0x9: {  	[smem:$0x3FB0] =	sst s1  }
0xa: {  	[smem:$0x3FB1] =	sst s2  }
0xb: {  	[smem:$0x3FB2] =	sst s3  }
0xc: {  	[smem:$0x3FB3] =	sst s4  }
0xd: {  	[smem:$0x3FB4] =	sst s5  }
0xe: {  	[smem:$0x3FB5] =	sst s6  }
0xf: {  	[smem:$0x3FB6] =	sst s7  }
0x10: {  	[smem:$0x3FB7] =	sst s8  }
0x11: {  	[smem:$0x3FB8] =	sst s9;
	s0 =	simm.s32 @!p0 $0x0  }
0x12: {  	s1 =	sld [smem:$0x3F9E];
	s0 =	simm.s32 @p0 $0x1  }
0x13: {  	[smem:$0x3FB9] =	sst s0;
	s0 =	simm.s32 @!p1 $0x0  }
0x14: {  	s2 =	sld [smem:$0x3F9D];
	s0 =	simm.s32 @p1 $0x1  }
0x15: {  	[smem:$0x3FBA] =	sst s0;
	s0 =	simm.s32 @!p2 $0x0  }
0x16: {  	s3 =	sld [smem:$0x3FDB];
	s0 =	simm.s32 @p2 $0x1  }
0x17: {  	s4 =	simm.s32 $0x1BF5;
	[smem:$0x3FBC] =	sst s0  }
0x18: {  	s0 =	sld [smem:$0x3F9F];
	_ =	swait.ge [sflag:s4], $0x0  }
0x19: {  	s7 =	sld [smem:$0x3FA0]  }
0x1a: {  	s8 =	sadd.s32 $0xFFFFE003, lr  }
0x1b: {  	s9 =	sadd.s32 $0xFFFFFEF7, lr;
	s5 =	simm.s32 $0xFFFFFFFF;
	p2 =	slt.u32 s8, $0xFFFFF086  }
0x1c: {  	p1 =	slt.u32 s9, $0xF7A;
	s5 =	simm.s32 @!p2 $0x0  }
0x1d: {  	s5 =	simm.s32 @p1 $0x1;
	p0 =	seq.s32 s7, s2  }
0x1e: {  	s7 =	smul.u32 @!p0 $0xF7A, s2;
	p2 =	seq.s32 @!p0 s5, $0x0  }
0x1f: {  	s9 =	smul.u32 $0xF7A, s1;
	s8 =	simm.s32 @!p0 $0x1BF5;
	p2 =	por !p2, p0  }
0x20: {  	[sflag:s8] =	ssyncset.s32 @!p0 $0xFFFFF086;
	s6 =	sadd.s32 @!p0 s3, s7;
	s7 =	simm.s32 @!p0 $0x108  }
0x21: {  	s3 =	sadd.s32 s3, s9;
	s6 =	sadd.s32 @!p0 $0x88, s6;
	s7 =	simm.s32 @p2 $0x1082  }
0x22: {  	[simem:s7], [sflag:s8] =	dma.local @!p0 [hbm:s6], $0xF7A  }
0x23: {  	s9 =	sor.u32 $0xD0000000, s2;
	s6 =	simm.s32 $0x108;
	_ =	swait.ge @!p0 [sflag:s8], $0x0  }
0x24: {  	s3 =	sadd.s32 $0x88, s3;
	s6 =	simm.s32 @!p1 $0x1082;
	[sflag:s4] =	ssyncset.s32 $0xFFFFF086  }
0x25: {  	[simem:s6], [sflag:s4] =	dma.local [hbm:s3], $0xF7A  }
0x26: {  	[smem:$0x3FA0] =	sst s1;
	(tag) =	ssettag s2;
	_ =	strace s9  }
0x27: {  	s1 =	sld [smem:$0x3FB0]  }
0x28: {  	s2 =	sld [smem:$0x3FB1]  }
0x29: {  	s4 =	sld [smem:$0x3FB3]  }
0x2a: {  	p0 =	seq.s32 s5, $0x0;
	s5 =	sld [smem:$0x3FB4]  }
0x2b: {  	s6 =	sld [smem:$0x3FB5]  }
0x2c: {  	s7 =	sld [smem:$0x3FB6]  }
0x2d: {  	s3 =	simm.s32 $0x108;
	s8 =	sld [smem:$0x3FB7]  }
0x2e: {  	s3 =	simm.s32 @!p0 $0x1082;
	s9 =	sld [smem:$0x3FB8]  }
0x2f: {  	lr =	sadd.s32 s0, s3;
	s0 =	sld [smem:$0x3FAF]  }
0x30: {  	s3 =	sld [smem:$0x3FB2]  }
0x31: {  	[smem:$0x3FBB] =	sst s10  }
0x32: {  	s10 =	sld [smem:$0x3FB9];
	_ =	sdelay $0x3  }
0x33: {  	p0 =	seq.s32 s10, $0x1;
	s10 =	sld [smem:$0x3FBB];
	_ =	sdelay $0x3  }
0x34: {  	[smem:$0x3FBB] =	sst s10  }
0x35: {  	s10 =	sld [smem:$0x3FBA];
	_ =	sdelay $0x3  }
0x36: {  	p1 =	seq.s32 s10, $0x1;
	s10 =	sld [smem:$0x3FBB];
	_ =	sdelay $0x3  }
0x37: {  	[smem:$0x3FBB] =	sst s10  }
0x38: {  	s10 =	sld [smem:$0x3FBC]  }
0x39: {  	_ = 	snop;
	(pc) =	sbr.ind lr, $3  }
0x3a: {  	_ = 	snop  }
0x3b: {  	_ = 	snop  }
0x3c: {  	p2 =	seq.s32 s10, $0x1;
	s10 =	sld [smem:$0x3FBB]  }
0x3d: {  	_ =	shalt  }
0x3e: {  	_ =	shalt  }
0x3f: {  	_ =	shalt  }
0x40: {  	_ =	shalt  }
0x41: {  	_ =	shalt  }
0x42: {  	_ =	shalt  }
0x43: {  	_ =	shalt  }
0x44: {  	_ =	shalt  }
0x45: {  	_ =	shalt  }
0x46: {  	_ =	shalt  }
0x47: {  	_ =	shalt  }
0x48: {  	_ =	shalt  }
0x49: {  	_ =	shalt  }
0x4a: {  	_ =	shalt  }
0x4b: {  	_ =	shalt  }
0x4c: {  	_ =	shalt  }
0x4d: {  	_ =	shalt  }
0x4e: {  	_ =	shalt  }
0x4f: {  	_ =	shalt  }
0x50: {  	_ =	shalt  }
0x51: {  	_ =	shalt  }
0x52: {  	_ =	shalt  }
0x53: {  	_ =	shalt  }
0x54: {  	_ =	shalt  }
0x55: {  	_ =	shalt  }
0x56: {  	_ =	shalt  }
0x57: {  	_ =	shalt  }
0x58: {  	_ =	shalt  }
0x59: {  	_ =	shalt  }
0x5a: {  	_ =	shalt  }
0x5b: {  	_ =	shalt  }
0x5c: {  	_ =	shalt  }
0x5d: {  	_ =	shalt  }
0x5e: {  	_ =	shalt  }
0x5f: {  	_ =	shalt  }
0x60: {  	_ =	shalt  }
0x61: {  	_ =	shalt  }
0x62: {  	_ =	shalt  }
0x63: {  	_ =	shalt  }
0x64: {  	_ =	shalt  }
0x65: {  	_ =	shalt  }
0x66: {  	_ =	shalt  }
0x67: {  	_ =	shalt  }
0x68: {  	_ =	shalt  }
0x69: {  	_ =	shalt  }
0x6a: {  	_ =	shalt  }
0x6b: {  	_ =	shalt  }
0x6c: {  	_ =	shalt  }
0x6d: {  	_ =	shalt  }
0x6e: {  	_ =	shalt  }
0x6f: {  	_ =	shalt  }
0x70: {  	_ =	shalt  }
0x71: {  	_ =	shalt  }
0x72: {  	_ =	shalt  }
0x73: {  	_ =	shalt  }
0x74: {  	_ =	shalt  }
0x75: {  	_ =	shalt  }
0x76: {  	_ =	shalt  }
0x77: {  	_ =	shalt  }
0x78: {  	_ =	shalt  }
0x79: {  	_ =	shalt  }
0x7a: {  	_ =	shalt  }
0x7b: {  	_ =	shalt  }
0x7c: {  	_ =	shalt  }
0x7d: {  	_ =	shalt  }
0x7e: {  	_ =	shalt  }
0x7f: {  	_ =	shalt  }
0x80: {  	_ =	shalt  }
0x81: {  	_ =	shalt  }
0x82: {  	_ =	shalt  }
0x83: {  	_ =	shalt  }
0x84: {  	_ =	shalt  }
0x85: {  	_ =	shalt  }
0x86: {  	_ =	shalt  }
0x87: {  	_ =	shalt  }
.Lfunc_end0:
.L_simem_size_0:
called_computation_lowered:
.L_overlay_start_0:
0x88: {  	s2 =	sld [smem:$0x3FD9]  }
0x89: {  	s3 =	sld [smem:$0x3FFE];
	_ =	sdelay $0x1  }
0x8a: {  	s1 =	srdreg.scid  }
0x8b: {  	s0 =	sand.u32 $0x1, s1  }
0x8c: {  	s18 =	sshll.u32 s0, $0xA;
	s2 =	sadd.s32 s3, s2  }
0x8d: {  	s2 =	sadd.s32 s2, s18  }
0x8e: {  	[smem:$0x3FC7] =	sst s2  }
0x8f: {  	_ = 	snop  }
0x90: {  	s2 =	sld [smem:$0x3FC9]  }
0x91: {  	s19 =	sld [smem:$0x3FD0];
	(tm) =	ssettm $0x1  }
0x92: {  	s4 =	sld [smem:$0x3FFB];
	_ =	sdelay $0x3  }
0x93: {  	_ =	strace s4  }
0x94: {  	s4 =	sld [smem:$0x3FFC];
	_ =	sdelay $0x3  }
0x95: {  	_ =	strace s4  }
0x96: {  	s4 =	sld [smem:$0x3FFD];
	_ =	sdelay $0x3  }
0x97: {  	_ =	strace s4  }
0x98: {  	_ =	strace $0x8FFFFFFF  }
0x99: {  	s20 =	sld [smem:$0x3FDB];
	_ =	sdelay $0x1  }
0x9a: {  	s5 =	simm.s32 $_scs_section_size  }
0x9b: {  	s6 =	simm.s32 $_size__tile_overlayer_lowered;
	s7 =	simm.s32 $_tile_overlayer_lowered  }
0x9c: {  	s23 =	simm.s32 $0x1BFF;
	s22 =	sshll.u32 s7, $0x1;
	s4 =	sadd.s32 s5, s20  }
0x9d: {  	s8 =	simm.s32 $0x0;
	s21 =	sshll.u32 s6, $0x1;
	s6 =	sadd.s32 s22, s4  }
0x9e: {  	[timem:s8], [sflag:s23] =	dma.local [hbm:s6], s21  }
0x9f: {  	_ =	swait.ge [sflag:s23], s21  }
0xa0: {  	s5 =	ssub.s32 $0x0, s21;
	[sflag:s23] =	ssyncset.done $0x0  }
0xa1: {  	[sflag:s23] =	ssyncadd.s32 s5;
	_ =	sdelay $0x1  }
0xa2: {  	s24 =	simm.s32 $0x1B8B  }
0xa3: {  	_ =	swait.ge [sflag:s24], $0x1  }
0xa4: {  	[sflag:s24] =	ssyncset.done $0x0  }
0xa5: {  	s25 =	simm.s32 $0x1B8E;
	[sflag:s24] =	ssyncadd.s32 $0xFFFFFFFF  }
0xa6: {  	s26 =	simm.s32 $execute0_lowered;
	[smem:$0x3FD2] =	sst s25  }
0xa7: {  	s5 =	sshll.u32 s26, $0x1;
	_ =	strace $0x80000046;
	[dreg:$0x1] =	wrdreg $0xFFFFFFFF  }
0xa8: {  	s28 =	simm.s32 $_size_execute0_lowered;
	s4 =	sadd.s32 s4, s5;
	[dreg:$0x0] =	wrdreg $0x0  }
0xa9: {  	s5 =	sshll.u32 s28, $0x1;
	[dreg:$0x2] =	wrdreg s4  }
0xaa: {  	[dreg:$0x3] =	wrdreg s5  }
0xab: {  	[dreg:$0x4] =	wrdreg $0xC0  }
0xac: {  	_ =	task [dreg:s8], $0x5FFFF  }
0xad: {  	[dreg:$0x1] =	wrdreg $0xFFFFFFFF  }
0xae: {  	[dreg:$0x0] =	wrdreg $0x60  }
0xaf: {  	[dreg:$0x2] =	wrdreg s2  }
0xb0: {  	[dreg:$0x3] =	wrdreg s19  }
0xb1: {  	[dreg:$0x4] =	wrdreg $0x0  }
0xb2: {  	[dreg:$0x5] =	wrdreg $0x9  }
0xb3: {  	_ =	task.clear_ibuf [dreg:s8], $0x6FFFF;
	_ =	strace $0x90000046  }
0xb4: {  	s29 =	simm.s32 $0x9;
	_ =	strace $0x80000048  }
0xb5: {  	_ =	swait.ge [sflag:s29], $0x1  }
0xb6: {  	[sflag:s29] =	ssyncadd.s32 $0xFFFFFFFF  }
0xb7: {  	_ =	strace $0x90000048  }
0xb8: {  	_ =	sfence  }
0xb9: {  	s30 =	sld [smem:$0x0];
	_ =	sdelay $0x2  }
0xba: {  	s31 =	sshll.u32 s1, $0xD;
	s1 =	sshrl.u32 s1, $0x2  }
0xbb: {  	s3 =	sand.u32 $0x4000, s31;
	s1 =	sadd.s32 s1, s30  }
0xbc: {  	s0 =	sor.u32 s3, s0;
	s1 =	sshll.u32 s1, $0x11  }
0xbd: {  	s0 =	sor.u32 s1, s0  }
0xbe: {  	s0 =	sadd.s32 $0x8F2B, s0  }
0xbf: {  	[sflag:s0] =	ssyncadd.remote.s32 $0x1  }
0xc0: {  	_ =	sfence.sel $0xFFFF  }
0xc1: {  	[dreg:$0x0] =	wrdreg $0xFFFFFFFF;
	(pc) =	sbr.abs _section_cstart, $3  }
0xc2: {  	[dreg:$0x1] =	wrdreg $0xFFFFFFFF  }
0xc3: {  	_ =	task.clear_ibuf [dreg:s8], $0x2FFFF;
	_ =	strace $0x9FFFFFFF  }
0xc4: {  	(tm) =	ssettm $0x7FFFFFFF  }
0xc5: {  	_ =	shalt  }
tec
execute0_lowered:
.L_overlay_start_1:
0x0: {  	(tag) =	ssettag $0x1  }
0x1: {  	s26 =	rddreg [dreg:$0x0];
	s1 =	srdreg.scid  }
0x2: {  	s29 =	rddreg [dreg:$0x1];
	s0 =	stileid.u32  }
0x3: {  	s3 =	rddreg [dreg:$0x2];
	s5 =	simm.s32 $0x0;
	s30 =	sand.u32 $0x1, s1  }
0x4: {  	s4 =	sshll.u32 s0, $0x11;
	s1 =	rddreg [dreg:$0x3];
	s2 =	sshll.u32 s30, $0x15  }
0x5: {  	[smem:$0x7FF] =	sst s5;
	s28 =	sor.u32 s4, s2  }
0x6: {  	_ =	strace $0x80000047;
	s2 =	sadd.s32 s26, s28;
	s18 =	sadd.s32 s29, s28  }
0x7: {  	s6 =	sor.u32 $0x2000, s28;
	s17 =	sadd.s32 $0x1F80, s2;
	[dreg:$0x5] =	wrdreg s18  }
0x8: {  	s19 =	sadd.s32 s26, s6;
	[dreg:$0x4] =	wrdreg s17  }
0x9: {  	s20 =	sadd.s32 $0x3F80, s2;
	[dreg:$0x6] =	wrdreg s19  }
0xa: {  	s22 =	sor.u32 $0x4000, s28;
	s21 =	sadd.s32 s29, s6;
	[dreg:$0x7] =	wrdreg s20  }
0xb: {  	s23 =	sadd.s32 s26, s22;
	[dreg:$0x8] =	wrdreg s21  }
0xc: {  	s24 =	sadd.s32 $0x5F80, s2;
	[dreg:$0x9] =	wrdreg s23  }
0xd: {  	s31 =	sor.u32 $0x6000, s28;
	s25 =	sadd.s32 s29, s22;
	[dreg:$0xa] =	wrdreg s24  }
0xe: {  	s7 =	sadd.s32 s26, s31;
	[dreg:$0xb] =	wrdreg s25  }
0xf: {  	s8 =	sadd.s32 $0x7F80, s2;
	[dreg:$0xc] =	wrdreg s7  }
0x10: {  	s10 =	sor.u32 $0x8000, s28;
	s9 =	sadd.s32 s29, s31;
	[dreg:$0xd] =	wrdreg s8  }
0x11: {  	s11 =	sadd.s32 s26, s10;
	[dreg:$0xe] =	wrdreg s9  }
0x12: {  	s12 =	sadd.s32 $0x9F80, s2;
	[dreg:$0xf] =	wrdreg s11  }
0x13: {  	s14 =	sor.u32 $0xA000, s28;
	s13 =	sadd.s32 s29, s10;
	[dreg:$0x10] =	wrdreg s12  }
0x14: {  	s15 =	sadd.s32 s26, s14;
	[dreg:$0x11] =	wrdreg s13  }
0x15: {  	s16 =	sadd.s32 $0xBF80, s2;
	[dreg:$0x12] =	wrdreg s15  }
0x16: {  	s18 =	sor.u32 $0xC000, s28;
	[dreg:$0x13] =	wrdreg s16;
	s17 =	sadd.s32 s29, s14  }
0x17: {  	s19 =	sadd.s32 s26, s18;
	[dreg:$0x14] =	wrdreg s17  }
0x18: {  	s20 =	sadd.s32 $0xDF80, s2;
	[dreg:$0x15] =	wrdreg s19  }
0x19: {  	s22 =	sor.u32 $0xE000, s28;
	s21 =	sadd.s32 s29, s18;
	[dreg:$0x16] =	wrdreg s20  }
0x1a: {  	s23 =	sadd.s32 s26, s22;
	[dreg:$0x17] =	wrdreg s21  }
0x1b: {  	s24 =	sadd.s32 $0xFF80, s2;
	[dreg:$0x18] =	wrdreg s23  }
0x1c: {  	s31 =	sor.u32 $0x10000, s28;
	s25 =	sadd.s32 s29, s22;
	[dreg:$0x19] =	wrdreg s24  }
0x1d: {  	s7 =	sadd.s32 s26, s31;
	[dreg:$0x1a] =	wrdreg s25  }
0x1e: {  	s8 =	sadd.s32 $0x11F80, s2;
	[dreg:$0x1b] =	wrdreg s7  }
0x1f: {  	s10 =	sor.u32 $0x12000, s28;
	s9 =	sadd.s32 s29, s31;
	[dreg:$0x1c] =	wrdreg s8  }
0x20: {  	s11 =	sadd.s32 s26, s10;
	[dreg:$0x1d] =	wrdreg s9  }
0x21: {  	s12 =	sadd.s32 $0x13F80, s2;
	[dreg:$0x1e] =	wrdreg s11  }
0x22: {  	s13 =	sadd.s32 s29, s10;
	s14 =	sor.u32 $0x14000, s28;
	[dreg:$0x1f] =	wrdreg s12  }
0x23: {  	s10 =	sadd.s32 s4, s3;
	s16 =	sadd.s32 $0x15F80, s2;
	[smem:$0x7F9] =	sst s13  }
0x24: {  	s15 =	sadd.s32 s26, s14;
	s4 =	sadd.s32 $0x400, s10;
	[smem:$0x7FB] =	sst s16  }
0x25: {  	s17 =	sadd.s32 s29, s14;
	s16 =	sor.u32 $0x16000, s28;
	[smem:$0x7FA] =	sst s15  }
0x26: {  	s13 =	sshll.u32 s0, $0x6;
	[smem:$0x7FC] =	sst s17;
	s18 =	sadd.s32 s26, s16  }
0x27: {  	s3 =	sor.u32 $0x1C01, s13;
	s4 =	sshrl.u32 s4, $0x3;
	[smem:$0x7FD] =	sst s18  }
0x28: {  	[spmem:s4], [sflag:s3] =	dma.local [hbm:s2], $0x1F80  }
0x29: {  	s5 =	simm.s32 $0x1;
	s6 =	sshrl.u32 s10, $0x3;
	s7 =	rddreg [dreg:$0x4]  }
0x2a: {  	[spmem:s6], [sflag:s3] =	dma.local [hbm:s7], $0x80  }
0x2b: {  	_ =	swait.ge [sflag:s5], $0x1F80  }
0x2c: {  	[sflag:s5] =	ssyncset.done $0x0  }
0x2d: {  	[sflag:s5] =	ssyncadd.s32 $0xFFFFE080  }
0x2e: {  	_ =	swait.ge [sflag:s5], $0x80  }
0x2f: {  	s19 =	sadd.s32 $0x10400, s10;
	s10 =	sadd.s32 $0x10000, s10;
	[sflag:s5] =	ssyncset.done $0x0  }
0x30: {  	s7 =	sor.u32 $0x1C03, s13;
	s8 =	rddreg [dreg:$0x5];
	[sflag:s5] =	ssyncadd.s32 $0xFFFFFF80  }
0x31: {  	[hbm:s8], [sflag:s7] =	dma.local [spmem:s6], $0x2000  }
0x32: {  	s9 =	sor.u32 $0x1C02, s13;
	s8 =	sshrl.u32 s19, $0x3;
	s11 =	rddreg [dreg:$0x6]  }
0x33: {  	[spmem:s8], [sflag:s9] =	dma.local [hbm:s11], $0x1F80  }
0x34: {  	s10 =	sshrl.u32 s10, $0x3;
	s11 =	simm.s32 $0x2;
	s12 =	rddreg [dreg:$0x7]  }
0x35: {  	[spmem:s10], [sflag:s9] =	dma.local [hbm:s12], $0x80  }
0x36: {  	_ =	swait.ge [sflag:s11], $0x1F80  }
0x37: {  	[sflag:s11] =	ssyncset.done $0x0  }
0x38: {  	[sflag:s11] =	ssyncadd.s32 $0xFFFFE080  }
0x39: {  	_ =	swait.ge [sflag:s11], $0x80  }
0x3a: {  	s13 =	sor.u32 $0x1C04, s13;
	[sflag:s11] =	ssyncset.done $0x0  }
0x3b: {  	s12 =	simm.s32 $0x3;
	s14 =	rddreg [dreg:$0x8];
	[sflag:s11] =	ssyncadd.s32 $0xFFFFFF80  }
0x3c: {  	[hbm:s14], [sflag:s13] =	dma.local [spmem:s10], $0x2000  }
0x3d: {  	_ =	swait.ge [sflag:s12], $0x2000  }
0x3e: {  	[sflag:s12] =	ssyncset.done $0x0  }
0x3f: {  	s20 =	rddreg [dreg:$0x9];
	[sflag:s12] =	ssyncadd.s32 $0xFFFFE000  }
0x40: {  	[spmem:s4], [sflag:s3] =	dma.local [hbm:s20], $0x1F80  }
0x41: {  	s14 =	rddreg [dreg:$0xa]  }
0x42: {  	[spmem:s6], [sflag:s3] =	dma.local [hbm:s14], $0x80  }
0x43: {  	_ =	swait.ge [sflag:s5], $0x1F80  }
0x44: {  	[sflag:s5] =	ssyncset.done $0x0  }
0x45: {  	[sflag:s5] =	ssyncadd.s32 $0xFFFFE080  }
0x46: {  	_ =	swait.ge [sflag:s5], $0x80  }
0x47: {  	[sflag:s5] =	ssyncset.done $0x0  }
0x48: {  	s14 =	simm.s32 $0x4;
	s15 =	rddreg [dreg:$0xb];
	[sflag:s5] =	ssyncadd.s32 $0xFFFFFF80  }
0x49: {  	[hbm:s15], [sflag:s7] =	dma.local [spmem:s6], $0x2000  }
0x4a: {  	_ =	swait.ge [sflag:s14], $0x2000  }
0x4b: {  	[sflag:s14] =	ssyncset.done $0x0  }
0x4c: {  	s21 =	rddreg [dreg:$0xc];
	[sflag:s14] =	ssyncadd.s32 $0xFFFFE000  }
0x4d: {  	[spmem:s8], [sflag:s9] =	dma.local [hbm:s21], $0x1F80  }
0x4e: {  	s15 =	rddreg [dreg:$0xd]  }
0x4f: {  	[spmem:s10], [sflag:s9] =	dma.local [hbm:s15], $0x80  }
0x50: {  	_ =	swait.ge [sflag:s11], $0x1F80  }
0x51: {  	[sflag:s11] =	ssyncset.done $0x0  }
0x52: {  	[sflag:s11] =	ssyncadd.s32 $0xFFFFE080  }
0x53: {  	_ =	swait.ge [sflag:s11], $0x80  }
0x54: {  	[sflag:s11] =	ssyncset.done $0x0  }
0x55: {  	s22 =	rddreg [dreg:$0xe];
	[sflag:s11] =	ssyncadd.s32 $0xFFFFFF80  }
0x56: {  	[hbm:s22], [sflag:s13] =	dma.local [spmem:s10], $0x2000  }
0x57: {  	_ =	swait.ge [sflag:s12], $0x2000  }
0x58: {  	[sflag:s12] =	ssyncset.done $0x0  }
0x59: {  	s23 =	rddreg [dreg:$0xf];
	[sflag:s12] =	ssyncadd.s32 $0xFFFFE000  }
0x5a: {  	[spmem:s4], [sflag:s3] =	dma.local [hbm:s23], $0x1F80  }
0x5b: {  	s15 =	rddreg [dreg:$0x10]  }
0x5c: {  	[spmem:s6], [sflag:s3] =	dma.local [hbm:s15], $0x80  }
0x5d: {  	_ =	swait.ge [sflag:s5], $0x1F80  }
0x5e: {  	[sflag:s5] =	ssyncset.done $0x0  }
0x5f: {  	[sflag:s5] =	ssyncadd.s32 $0xFFFFE080  }
0x60: {  	_ =	swait.ge [sflag:s5], $0x80  }
0x61: {  	[sflag:s5] =	ssyncset.done $0x0  }
0x62: {  	s24 =	rddreg [dreg:$0x11];
	[sflag:s5] =	ssyncadd.s32 $0xFFFFFF80  }
0x63: {  	[hbm:s24], [sflag:s7] =	dma.local [spmem:s6], $0x2000  }
0x64: {  	_ =	swait.ge [sflag:s14], $0x2000  }
0x65: {  	[sflag:s14] =	ssyncset.done $0x0  }
0x66: {  	s25 =	rddreg [dreg:$0x12];
	[sflag:s14] =	ssyncadd.s32 $0xFFFFE000  }
0x67: {  	[spmem:s8], [sflag:s9] =	dma.local [hbm:s25], $0x1F80  }
0x68: {  	s15 =	rddreg [dreg:$0x13]  }
0x69: {  	[spmem:s10], [sflag:s9] =	dma.local [hbm:s15], $0x80  }
0x6a: {  	_ =	swait.ge [sflag:s11], $0x1F80  }
0x6b: {  	[sflag:s11] =	ssyncset.done $0x0  }
0x6c: {  	[sflag:s11] =	ssyncadd.s32 $0xFFFFE080  }
0x6d: {  	_ =	swait.ge [sflag:s11], $0x80  }
0x6e: {  	[sflag:s11] =	ssyncset.done $0x0  }
0x6f: {  	s31 =	rddreg [dreg:$0x14];
	[sflag:s11] =	ssyncadd.s32 $0xFFFFFF80  }
0x70: {  	[hbm:s31], [sflag:s13] =	dma.local [spmem:s10], $0x2000  }
0x71: {  	_ =	swait.ge [sflag:s12], $0x2000  }
0x72: {  	[sflag:s12] =	ssyncset.done $0x0  }
0x73: {  	s17 =	rddreg [dreg:$0x15];
	[sflag:s12] =	ssyncadd.s32 $0xFFFFE000  }
0x74: {  	[spmem:s4], [sflag:s3] =	dma.local [hbm:s17], $0x1F80  }
0x75: {  	s15 =	rddreg [dreg:$0x16]  }
0x76: {  	[spmem:s6], [sflag:s3] =	dma.local [hbm:s15], $0x80  }
0x77: {  	_ =	swait.ge [sflag:s5], $0x1F80  }
0x78: {  	[sflag:s5] =	ssyncset.done $0x0  }
0x79: {  	[sflag:s5] =	ssyncadd.s32 $0xFFFFE080  }
0x7a: {  	_ =	swait.ge [sflag:s5], $0x80  }
0x7b: {  	[sflag:s5] =	ssyncset.done $0x0  }
0x7c: {  	s18 =	rddreg [dreg:$0x17];
	[sflag:s5] =	ssyncadd.s32 $0xFFFFFF80  }
0x7d: {  	[hbm:s18], [sflag:s7] =	dma.local [spmem:s6], $0x2000  }
0x7e: {  	_ =	swait.ge [sflag:s14], $0x2000  }
0x7f: {  	[sflag:s14] =	ssyncset.done $0x0  }
0x80: {  	s19 =	rddreg [dreg:$0x18];
	[sflag:s14] =	ssyncadd.s32 $0xFFFFE000  }
0x81: {  	[spmem:s8], [sflag:s9] =	dma.local [hbm:s19], $0x1F80  }
0x82: {  	s15 =	rddreg [dreg:$0x19]  }
0x83: {  	[spmem:s10], [sflag:s9] =	dma.local [hbm:s15], $0x80  }
0x84: {  	_ =	swait.ge [sflag:s11], $0x1F80  }
0x85: {  	[sflag:s11] =	ssyncset.done $0x0  }
0x86: {  	[sflag:s11] =	ssyncadd.s32 $0xFFFFE080  }
0x87: {  	_ =	swait.ge [sflag:s11], $0x80  }
0x88: {  	[sflag:s11] =	ssyncset.done $0x0  }
0x89: {  	s20 =	rddreg [dreg:$0x1a];
	[sflag:s11] =	ssyncadd.s32 $0xFFFFFF80  }
0x8a: {  	[hbm:s20], [sflag:s13] =	dma.local [spmem:s10], $0x2000  }
0x8b: {  	_ =	swait.ge [sflag:s12], $0x2000  }
0x8c: {  	[sflag:s12] =	ssyncset.done $0x0  }
0x8d: {  	s21 =	rddreg [dreg:$0x1b];
	[sflag:s12] =	ssyncadd.s32 $0xFFFFE000  }
0x8e: {  	[spmem:s4], [sflag:s3] =	dma.local [hbm:s21], $0x1F80  }
0x8f: {  	s15 =	rddreg [dreg:$0x1c]  }
0x90: {  	[spmem:s6], [sflag:s3] =	dma.local [hbm:s15], $0x80  }
0x91: {  	_ =	swait.ge [sflag:s5], $0x1F80  }
0x92: {  	[sflag:s5] =	ssyncset.done $0x0  }
0x93: {  	[sflag:s5] =	ssyncadd.s32 $0xFFFFE080  }
0x94: {  	_ =	swait.ge [sflag:s5], $0x80  }
0x95: {  	[sflag:s5] =	ssyncset.done $0x0  }
0x96: {  	s22 =	rddreg [dreg:$0x1d];
	[sflag:s5] =	ssyncadd.s32 $0xFFFFFF80  }
0x97: {  	[hbm:s22], [sflag:s7] =	dma.local [spmem:s6], $0x2000  }
0x98: {  	_ =	swait.ge [sflag:s14], $0x2000  }
0x99: {  	[sflag:s14] =	ssyncset.done $0x0  }
0x9a: {  	s23 =	rddreg [dreg:$0x1e];
	[sflag:s14] =	ssyncadd.s32 $0xFFFFE000  }
0x9b: {  	[spmem:s8], [sflag:s9] =	dma.local [hbm:s23], $0x1F80  }
0x9c: {  	s15 =	rddreg [dreg:$0x1f]  }
0x9d: {  	[spmem:s10], [sflag:s9] =	dma.local [hbm:s15], $0x80  }
0x9e: {  	_ =	swait.ge [sflag:s11], $0x1F80  }
0x9f: {  	[sflag:s11] =	ssyncset.done $0x0  }
0xa0: {  	[sflag:s11] =	ssyncadd.s32 $0xFFFFE080  }
0xa1: {  	_ =	swait.ge [sflag:s11], $0x80  }
0xa2: {  	s24 =	sld [smem:$0x7F9]  }
0xa3: {  	[sflag:s11] =	ssyncset.done $0x0  }
0xa4: {  	[sflag:s11] =	ssyncadd.s32 $0xFFFFFF80  }
0xa5: {  	[hbm:s24], [sflag:s13] =	dma.local [spmem:s10], $0x2000  }
0xa6: {  	_ =	swait.ge [sflag:s12], $0x2000  }
0xa7: {  	s25 =	sld [smem:$0x7FA]  }
0xa8: {  	[sflag:s12] =	ssyncset.done $0x0  }
0xa9: {  	[sflag:s12] =	ssyncadd.s32 $0xFFFFE000  }
0xaa: {  	[spmem:s4], [sflag:s3] =	dma.local [hbm:s25], $0x1F80  }
0xab: {  	s15 =	sld [smem:$0x7FB];
	_ =	sdelay $0x2  }
0xac: {  	[spmem:s6], [sflag:s3] =	dma.local [hbm:s15], $0x80  }
0xad: {  	_ =	swait.ge [sflag:s5], $0x1F80  }
0xae: {  	[sflag:s5] =	ssyncset.done $0x0  }
0xaf: {  	[sflag:s5] =	ssyncadd.s32 $0xFFFFE080  }
0xb0: {  	_ =	swait.ge [sflag:s5], $0x80  }
0xb1: {  	s31 =	sld [smem:$0x7FC]  }
0xb2: {  	[sflag:s5] =	ssyncset.done $0x0  }
0xb3: {  	[sflag:s5] =	ssyncadd.s32 $0xFFFFFF80  }
0xb4: {  	[hbm:s31], [sflag:s7] =	dma.local [spmem:s6], $0x2000  }
0xb5: {  	_ =	swait.ge [sflag:s14], $0x2000  }
0xb6: {  	s17 =	sld [smem:$0x7FD]  }
0xb7: {  	[sflag:s14] =	ssyncset.done $0x0  }
0xb8: {  	s15 =	sadd.s32 $0x17F80, s2;
	[sflag:s14] =	ssyncadd.s32 $0xFFFFE000  }
0xb9: {  	[spmem:s8], [sflag:s9] =	dma.local [hbm:s17], $0x1F80  }
0xba: {  	[spmem:s10], [sflag:s9] =	dma.local [hbm:s15], $0x80  }
0xbb: {  	_ =	swait.ge [sflag:s11], $0x1F80  }
0xbc: {  	[sflag:s11] =	ssyncset.done $0x0  }
0xbd: {  	[sflag:s11] =	ssyncadd.s32 $0xFFFFE080  }
0xbe: {  	_ =	swait.ge [sflag:s11], $0x80  }
0xbf: {  	[sflag:s11] =	ssyncset.done $0x0  }
0xc0: {  	s16 =	sadd.s32 s29, s16;
	[sflag:s11] =	ssyncadd.s32 $0xFFFFFF80  }
0xc1: {  	[hbm:s16], [sflag:s13] =	dma.local [spmem:s10], $0x2000  }
0xc2: {  	_ =	swait.ge [sflag:s12], $0x2000  }
0xc3: {  	s19 =	sor.u32 $0x18000, s28;
	[sflag:s12] =	ssyncset.done $0x0  }
0xc4: {  	s18 =	sadd.s32 $0x19F80, s2;
	s17 =	sadd.s32 s26, s19;
	[sflag:s12] =	ssyncadd.s32 $0xFFFFE000  }
0xc5: {  	[spmem:s4], [sflag:s3] =	dma.local [hbm:s17], $0x1F80  }
0xc6: {  	[spmem:s6], [sflag:s3] =	dma.local [hbm:s18], $0x80  }
0xc7: {  	_ =	swait.ge [sflag:s5], $0x1F80  }
0xc8: {  	[sflag:s5] =	ssyncset.done $0x0  }
0xc9: {  	[sflag:s5] =	ssyncadd.s32 $0xFFFFE080  }
0xca: {  	_ =	swait.ge [sflag:s5], $0x80  }
0xcb: {  	[sflag:s5] =	ssyncset.done $0x0  }
0xcc: {  	s19 =	sadd.s32 s29, s19;
	[sflag:s5] =	ssyncadd.s32 $0xFFFFFF80  }
0xcd: {  	[hbm:s19], [sflag:s7] =	dma.local [spmem:s6], $0x2000  }
0xce: {  	_ =	swait.ge [sflag:s14], $0x2000  }
0xcf: {  	s22 =	sor.u32 $0x1A000, s28;
	[sflag:s14] =	ssyncset.done $0x0  }
0xd0: {  	s21 =	sadd.s32 $0x1BF80, s2;
	s20 =	sadd.s32 s26, s22;
	[sflag:s14] =	ssyncadd.s32 $0xFFFFE000  }
0xd1: {  	[spmem:s8], [sflag:s9] =	dma.local [hbm:s20], $0x1F80  }
0xd2: {  	[spmem:s10], [sflag:s9] =	dma.local [hbm:s21], $0x80  }
0xd3: {  	_ =	swait.ge [sflag:s11], $0x1F80  }
0xd4: {  	[sflag:s11] =	ssyncset.done $0x0  }
0xd5: {  	[sflag:s11] =	ssyncadd.s32 $0xFFFFE080  }
0xd6: {  	_ =	swait.ge [sflag:s11], $0x80  }
0xd7: {  	[sflag:s11] =	ssyncset.done $0x0  }
0xd8: {  	s22 =	sadd.s32 s29, s22;
	[sflag:s11] =	ssyncadd.s32 $0xFFFFFF80  }
0xd9: {  	[hbm:s22], [sflag:s13] =	dma.local [spmem:s10], $0x2000  }
0xda: {  	_ =	swait.ge [sflag:s12], $0x2000  }
0xdb: {  	s25 =	sor.u32 $0x1C000, s28;
	[sflag:s12] =	ssyncset.done $0x0  }
0xdc: {  	s24 =	sadd.s32 $0x1DF80, s2;
	s23 =	sadd.s32 s26, s25;
	[sflag:s12] =	ssyncadd.s32 $0xFFFFE000  }
0xdd: {  	[spmem:s4], [sflag:s3] =	dma.local [hbm:s23], $0x1F80  }
0xde: {  	[spmem:s6], [sflag:s3] =	dma.local [hbm:s24], $0x80  }
0xdf: {  	_ =	swait.ge [sflag:s5], $0x1F80  }
0xe0: {  	[sflag:s5] =	ssyncset.done $0x0  }
0xe1: {  	[sflag:s5] =	ssyncadd.s32 $0xFFFFE080  }
0xe2: {  	_ =	swait.ge [sflag:s5], $0x80  }
0xe3: {  	[sflag:s5] =	ssyncset.done $0x0  }
0xe4: {  	s25 =	sadd.s32 s29, s25;
	[sflag:s5] =	ssyncadd.s32 $0xFFFFFF80  }
0xe5: {  	[hbm:s25], [sflag:s7] =	dma.local [spmem:s6], $0x2000  }
0xe6: {  	_ =	swait.ge [sflag:s14], $0x2000  }
0xe7: {  	s31 =	sor.u32 $0x1E000, s28;
	[sflag:s14] =	ssyncset.done $0x0  }
0xe8: {  	s28 =	sadd.s32 $0x1FF80, s2;
	s26 =	sadd.s32 s26, s31;
	[sflag:s14] =	ssyncadd.s32 $0xFFFFE000  }
0xe9: {  	[spmem:s8], [sflag:s9] =	dma.local [hbm:s26], $0x1F80  }
0xea: {  	[spmem:s10], [sflag:s9] =	dma.local [hbm:s28], $0x80  }
0xeb: {  	_ =	swait.ge [sflag:s11], $0x1F80  }
0xec: {  	s30 =	ssub.s32 $0x2, s30;
	[sflag:s11] =	ssyncset.done $0x0  }
0xed: {  	s29 =	sadd.s32 s29, s31;
	s31 =	sshrl.u32 s30, $0x1;
	[sflag:s11] =	ssyncadd.s32 $0xFFFFE080  }
0xee: {  	s30 =	ssub.s32 s30, s31;
	_ =	swait.ge [sflag:s11], $0x80  }
0xef: {  	s30 =	smax.u32 s30, $0x1;
	[sflag:s11] =	ssyncset.done $0x0  }
0xf0: {  	p0 =	sne.s32 s30, $0x1;
	[sflag:s11] =	ssyncadd.s32 $0xFFFFFF80  }
0xf1: {  	[hbm:s29], [sflag:s13] =	dma.local [spmem:s10], $0x2000  }
.Ltmp0:
0xf2: {  	_ =	swait.ge [sflag:s12], $0x2000;
	(pc) =	sbr.rel @!p0 .LBB2_2-.Ltmp0, $4  }
0xf3: {  	[sflag:s12] =	ssyncset.done $0x0  }
0xf4: {  	[sflag:s12] =	ssyncadd.s32 $0xFFFFE000  }
0xf5: {  	_ =	swait.ge [sflag:s14], $0x2000  }
0xf6: {  	s30 =	sadd.s32 $0xFFFFFFFF, s30;
	[sflag:s14] =	ssyncset.done $0x0  }
.LBB2_1:
0xf7: {  	[sflag:s14] =	ssyncadd.s32 $0xFFFFE000  }
0xf8: {  	[spmem:s4], [sflag:s3] =	dma.local [hbm:s2], $0x1F80  }
0xf9: {  	s31 =	rddreg [dreg:$0x4]  }
0xfa: {  	[spmem:s6], [sflag:s3] =	dma.local [hbm:s31], $0x80  }
0xfb: {  	_ =	swait.ge [sflag:s5], $0x1F80  }
0xfc: {  	[sflag:s5] =	ssyncset.done $0x0  }
0xfd: {  	[sflag:s5] =	ssyncadd.s32 $0xFFFFE080  }
0xfe: {  	_ =	swait.ge [sflag:s5], $0x80  }
0xff: {  	[sflag:s5] =	ssyncset.done $0x0  }
0x100: {  	s31 =	rddreg [dreg:$0x5];
	[sflag:s5] =	ssyncadd.s32 $0xFFFFFF80  }
0x101: {  	[hbm:s31], [sflag:s7] =	dma.local [spmem:s6], $0x2000  }
0x102: {  	s31 =	rddreg [dreg:$0x6]  }
0x103: {  	[spmem:s8], [sflag:s9] =	dma.local [hbm:s31], $0x1F80  }
0x104: {  	s31 =	rddreg [dreg:$0x7]  }
0x105: {  	[spmem:s10], [sflag:s9] =	dma.local [hbm:s31], $0x80  }
0x106: {  	_ =	swait.ge [sflag:s11], $0x1F80  }
0x107: {  	[sflag:s11] =	ssyncset.done $0x0  }
0x108: {  	[sflag:s11] =	ssyncadd.s32 $0xFFFFE080  }
0x109: {  	_ =	swait.ge [sflag:s11], $0x80  }
0x10a: {  	[sflag:s11] =	ssyncset.done $0x0  }
0x10b: {  	s31 =	rddreg [dreg:$0x8];
	[sflag:s11] =	ssyncadd.s32 $0xFFFFFF80  }
0x10c: {  	[hbm:s31], [sflag:s13] =	dma.local [spmem:s10], $0x2000  }
0x10d: {  	_ =	swait.ge [sflag:s12], $0x2000  }
0x10e: {  	[sflag:s12] =	ssyncset.done $0x0  }
0x10f: {  	s31 =	rddreg [dreg:$0x9];
	[sflag:s12] =	ssyncadd.s32 $0xFFFFE000  }
0x110: {  	[spmem:s4], [sflag:s3] =	dma.local [hbm:s31], $0x1F80  }
0x111: {  	s31 =	rddreg [dreg:$0xa]  }
0x112: {  	[spmem:s6], [sflag:s3] =	dma.local [hbm:s31], $0x80  }
0x113: {  	_ =	swait.ge [sflag:s5], $0x1F80  }
0x114: {  	[sflag:s5] =	ssyncset.done $0x0  }
0x115: {  	[sflag:s5] =	ssyncadd.s32 $0xFFFFE080  }
0x116: {  	_ =	swait.ge [sflag:s5], $0x80  }
0x117: {  	[sflag:s5] =	ssyncset.done $0x0  }
0x118: {  	s31 =	rddreg [dreg:$0xb];
	[sflag:s5] =	ssyncadd.s32 $0xFFFFFF80  }
0x119: {  	[hbm:s31], [sflag:s7] =	dma.local [spmem:s6], $0x2000  }
0x11a: {  	_ =	swait.ge [sflag:s14], $0x2000  }
0x11b: {  	[sflag:s14] =	ssyncset.done $0x0  }
0x11c: {  	s31 =	rddreg [dreg:$0xc];
	[sflag:s14] =	ssyncadd.s32 $0xFFFFE000  }
0x11d: {  	[spmem:s8], [sflag:s9] =	dma.local [hbm:s31], $0x1F80  }
0x11e: {  	s31 =	rddreg [dreg:$0xd]  }
0x11f: {  	[spmem:s10], [sflag:s9] =	dma.local [hbm:s31], $0x80  }
0x120: {  	_ =	swait.ge [sflag:s11], $0x1F80  }
0x121: {  	[sflag:s11] =	ssyncset.done $0x0  }
0x122: {  	[sflag:s11] =	ssyncadd.s32 $0xFFFFE080  }
0x123: {  	_ =	swait.ge [sflag:s11], $0x80  }
0x124: {  	[sflag:s11] =	ssyncset.done $0x0  }
0x125: {  	s31 =	rddreg [dreg:$0xe];
	[sflag:s11] =	ssyncadd.s32 $0xFFFFFF80  }
0x126: {  	[hbm:s31], [sflag:s13] =	dma.local [spmem:s10], $0x2000  }
0x127: {  	_ =	swait.ge [sflag:s12], $0x2000  }
0x128: {  	[sflag:s12] =	ssyncset.done $0x0  }
0x129: {  	s31 =	rddreg [dreg:$0xf];
	[sflag:s12] =	ssyncadd.s32 $0xFFFFE000  }
0x12a: {  	[spmem:s4], [sflag:s3] =	dma.local [hbm:s31], $0x1F80  }
0x12b: {  	s31 =	rddreg [dreg:$0x10]  }
0x12c: {  	[spmem:s6], [sflag:s3] =	dma.local [hbm:s31], $0x80  }
0x12d: {  	_ =	swait.ge [sflag:s5], $0x1F80  }
0x12e: {  	[sflag:s5] =	ssyncset.done $0x0  }
0x12f: {  	[sflag:s5] =	ssyncadd.s32 $0xFFFFE080  }
0x130: {  	_ =	swait.ge [sflag:s5], $0x80  }
0x131: {  	[sflag:s5] =	ssyncset.done $0x0  }
0x132: {  	s31 =	rddreg [dreg:$0x11];
	[sflag:s5] =	ssyncadd.s32 $0xFFFFFF80  }
0x133: {  	[hbm:s31], [sflag:s7] =	dma.local [spmem:s6], $0x2000  }
0x134: {  	_ =	swait.ge [sflag:s14], $0x2000  }
0x135: {  	[sflag:s14] =	ssyncset.done $0x0  }
0x136: {  	s31 =	rddreg [dreg:$0x12];
	[sflag:s14] =	ssyncadd.s32 $0xFFFFE000  }
0x137: {  	[spmem:s8], [sflag:s9] =	dma.local [hbm:s31], $0x1F80  }
0x138: {  	s31 =	rddreg [dreg:$0x13]  }
0x139: {  	[spmem:s10], [sflag:s9] =	dma.local [hbm:s31], $0x80  }
0x13a: {  	_ =	swait.ge [sflag:s11], $0x1F80  }
0x13b: {  	[sflag:s11] =	ssyncset.done $0x0  }
0x13c: {  	[sflag:s11] =	ssyncadd.s32 $0xFFFFE080  }
0x13d: {  	_ =	swait.ge [sflag:s11], $0x80  }
0x13e: {  	[sflag:s11] =	ssyncset.done $0x0  }
0x13f: {  	s31 =	rddreg [dreg:$0x14];
	[sflag:s11] =	ssyncadd.s32 $0xFFFFFF80  }
0x140: {  	[hbm:s31], [sflag:s13] =	dma.local [spmem:s10], $0x2000  }
0x141: {  	_ =	swait.ge [sflag:s12], $0x2000  }
0x142: {  	[sflag:s12] =	ssyncset.done $0x0  }
0x143: {  	s31 =	rddreg [dreg:$0x15];
	[sflag:s12] =	ssyncadd.s32 $0xFFFFE000  }
0x144: {  	[spmem:s4], [sflag:s3] =	dma.local [hbm:s31], $0x1F80  }
0x145: {  	s31 =	rddreg [dreg:$0x16]  }
0x146: {  	[spmem:s6], [sflag:s3] =	dma.local [hbm:s31], $0x80  }
0x147: {  	_ =	swait.ge [sflag:s5], $0x1F80  }
0x148: {  	[sflag:s5] =	ssyncset.done $0x0  }
0x149: {  	[sflag:s5] =	ssyncadd.s32 $0xFFFFE080  }
0x14a: {  	_ =	swait.ge [sflag:s5], $0x80  }
0x14b: {  	[sflag:s5] =	ssyncset.done $0x0  }
0x14c: {  	s31 =	rddreg [dreg:$0x17];
	[sflag:s5] =	ssyncadd.s32 $0xFFFFFF80  }
0x14d: {  	[hbm:s31], [sflag:s7] =	dma.local [spmem:s6], $0x2000  }
0x14e: {  	_ =	swait.ge [sflag:s14], $0x2000  }
0x14f: {  	[sflag:s14] =	ssyncset.done $0x0  }
0x150: {  	s31 =	rddreg [dreg:$0x18];
	[sflag:s14] =	ssyncadd.s32 $0xFFFFE000  }
0x151: {  	[spmem:s8], [sflag:s9] =	dma.local [hbm:s31], $0x1F80  }
0x152: {  	s31 =	rddreg [dreg:$0x19]  }
0x153: {  	[spmem:s10], [sflag:s9] =	dma.local [hbm:s31], $0x80  }
0x154: {  	_ =	swait.ge [sflag:s11], $0x1F80  }
0x155: {  	[sflag:s11] =	ssyncset.done $0x0  }
0x156: {  	[sflag:s11] =	ssyncadd.s32 $0xFFFFE080  }
0x157: {  	_ =	swait.ge [sflag:s11], $0x80  }
0x158: {  	[sflag:s11] =	ssyncset.done $0x0  }
0x159: {  	s31 =	rddreg [dreg:$0x1a];
	[sflag:s11] =	ssyncadd.s32 $0xFFFFFF80  }
0x15a: {  	[hbm:s31], [sflag:s13] =	dma.local [spmem:s10], $0x2000  }
0x15b: {  	_ =	swait.ge [sflag:s12], $0x2000  }
0x15c: {  	[sflag:s12] =	ssyncset.done $0x0  }
0x15d: {  	s31 =	rddreg [dreg:$0x1b];
	[sflag:s12] =	ssyncadd.s32 $0xFFFFE000  }
0x15e: {  	[spmem:s4], [sflag:s3] =	dma.local [hbm:s31], $0x1F80  }
0x15f: {  	s31 =	rddreg [dreg:$0x1c]  }
0x160: {  	[spmem:s6], [sflag:s3] =	dma.local [hbm:s31], $0x80  }
0x161: {  	_ =	swait.ge [sflag:s5], $0x1F80  }
0x162: {  	[sflag:s5] =	ssyncset.done $0x0  }
0x163: {  	[sflag:s5] =	ssyncadd.s32 $0xFFFFE080  }
0x164: {  	_ =	swait.ge [sflag:s5], $0x80  }
0x165: {  	[sflag:s5] =	ssyncset.done $0x0  }
0x166: {  	s31 =	rddreg [dreg:$0x1d];
	[sflag:s5] =	ssyncadd.s32 $0xFFFFFF80  }
0x167: {  	[hbm:s31], [sflag:s7] =	dma.local [spmem:s6], $0x2000  }
0x168: {  	_ =	swait.ge [sflag:s14], $0x2000  }
0x169: {  	[sflag:s14] =	ssyncset.done $0x0  }
0x16a: {  	s31 =	rddreg [dreg:$0x1e];
	[sflag:s14] =	ssyncadd.s32 $0xFFFFE000  }
0x16b: {  	[spmem:s8], [sflag:s9] =	dma.local [hbm:s31], $0x1F80  }
0x16c: {  	s31 =	rddreg [dreg:$0x1f]  }
0x16d: {  	[spmem:s10], [sflag:s9] =	dma.local [hbm:s31], $0x80  }
0x16e: {  	_ =	swait.ge [sflag:s11], $0x1F80  }
0x16f: {  	[sflag:s11] =	ssyncset.done $0x0  }
0x170: {  	[sflag:s11] =	ssyncadd.s32 $0xFFFFE080  }
0x171: {  	_ =	swait.ge [sflag:s11], $0x80  }
0x172: {  	s31 =	sld [smem:$0x7F9]  }
0x173: {  	[sflag:s11] =	ssyncset.done $0x0  }
0x174: {  	[sflag:s11] =	ssyncadd.s32 $0xFFFFFF80  }
0x175: {  	[hbm:s31], [sflag:s13] =	dma.local [spmem:s10], $0x2000  }
0x176: {  	_ =	swait.ge [sflag:s12], $0x2000  }
0x177: {  	s31 =	sld [smem:$0x7FA]  }
0x178: {  	[sflag:s12] =	ssyncset.done $0x0  }
0x179: {  	[sflag:s12] =	ssyncadd.s32 $0xFFFFE000  }
0x17a: {  	[spmem:s4], [sflag:s3] =	dma.local [hbm:s31], $0x1F80  }
0x17b: {  	s31 =	sld [smem:$0x7FB];
	_ =	sdelay $0x2  }
0x17c: {  	[spmem:s6], [sflag:s3] =	dma.local [hbm:s31], $0x80  }
0x17d: {  	_ =	swait.ge [sflag:s5], $0x1F80  }
0x17e: {  	[sflag:s5] =	ssyncset.done $0x0  }
0x17f: {  	[sflag:s5] =	ssyncadd.s32 $0xFFFFE080  }
0x180: {  	_ =	swait.ge [sflag:s5], $0x80  }
0x181: {  	s31 =	sld [smem:$0x7FC]  }
0x182: {  	[sflag:s5] =	ssyncset.done $0x0  }
0x183: {  	[sflag:s5] =	ssyncadd.s32 $0xFFFFFF80  }
0x184: {  	[hbm:s31], [sflag:s7] =	dma.local [spmem:s6], $0x2000  }
0x185: {  	_ =	swait.ge [sflag:s14], $0x2000  }
0x186: {  	s31 =	sld [smem:$0x7FD]  }
0x187: {  	[sflag:s14] =	ssyncset.done $0x0  }
0x188: {  	[sflag:s14] =	ssyncadd.s32 $0xFFFFE000  }
0x189: {  	[spmem:s8], [sflag:s9] =	dma.local [hbm:s31], $0x1F80  }
0x18a: {  	[spmem:s10], [sflag:s9] =	dma.local [hbm:s15], $0x80  }
0x18b: {  	_ =	swait.ge [sflag:s11], $0x1F80  }
0x18c: {  	[sflag:s11] =	ssyncset.done $0x0  }
0x18d: {  	[sflag:s11] =	ssyncadd.s32 $0xFFFFE080  }
0x18e: {  	_ =	swait.ge [sflag:s11], $0x80  }
0x18f: {  	[sflag:s11] =	ssyncset.done $0x0  }
0x190: {  	[sflag:s11] =	ssyncadd.s32 $0xFFFFFF80  }
0x191: {  	[hbm:s16], [sflag:s13] =	dma.local [spmem:s10], $0x2000  }
0x192: {  	_ =	swait.ge [sflag:s12], $0x2000  }
0x193: {  	[sflag:s12] =	ssyncset.done $0x0  }
0x194: {  	[sflag:s12] =	ssyncadd.s32 $0xFFFFE000  }
0x195: {  	[spmem:s4], [sflag:s3] =	dma.local [hbm:s17], $0x1F80  }
0x196: {  	[spmem:s6], [sflag:s3] =	dma.local [hbm:s18], $0x80  }
0x197: {  	_ =	swait.ge [sflag:s5], $0x1F80  }
0x198: {  	[sflag:s5] =	ssyncset.done $0x0  }
0x199: {  	[sflag:s5] =	ssyncadd.s32 $0xFFFFE080  }
0x19a: {  	_ =	swait.ge [sflag:s5], $0x80  }
0x19b: {  	[sflag:s5] =	ssyncset.done $0x0  }
0x19c: {  	[sflag:s5] =	ssyncadd.s32 $0xFFFFFF80  }
0x19d: {  	[hbm:s19], [sflag:s7] =	dma.local [spmem:s6], $0x2000  }
0x19e: {  	_ =	swait.ge [sflag:s14], $0x2000  }
0x19f: {  	[sflag:s14] =	ssyncset.done $0x0  }
0x1a0: {  	[sflag:s14] =	ssyncadd.s32 $0xFFFFE000  }
0x1a1: {  	[spmem:s8], [sflag:s9] =	dma.local [hbm:s20], $0x1F80  }
0x1a2: {  	[spmem:s10], [sflag:s9] =	dma.local [hbm:s21], $0x80  }
0x1a3: {  	_ =	swait.ge [sflag:s11], $0x1F80  }
0x1a4: {  	[sflag:s11] =	ssyncset.done $0x0  }
0x1a5: {  	[sflag:s11] =	ssyncadd.s32 $0xFFFFE080  }
0x1a6: {  	_ =	swait.ge [sflag:s11], $0x80  }
0x1a7: {  	[sflag:s11] =	ssyncset.done $0x0  }
0x1a8: {  	[sflag:s11] =	ssyncadd.s32 $0xFFFFFF80  }
0x1a9: {  	[hbm:s22], [sflag:s13] =	dma.local [spmem:s10], $0x2000  }
0x1aa: {  	_ =	swait.ge [sflag:s12], $0x2000  }
0x1ab: {  	[sflag:s12] =	ssyncset.done $0x0  }
0x1ac: {  	[sflag:s12] =	ssyncadd.s32 $0xFFFFE000  }
0x1ad: {  	[spmem:s4], [sflag:s3] =	dma.local [hbm:s23], $0x1F80  }
0x1ae: {  	[spmem:s6], [sflag:s3] =	dma.local [hbm:s24], $0x80  }
0x1af: {  	_ =	swait.ge [sflag:s5], $0x1F80  }
0x1b0: {  	[sflag:s5] =	ssyncset.done $0x0  }
0x1b1: {  	[sflag:s5] =	ssyncadd.s32 $0xFFFFE080  }
0x1b2: {  	_ =	swait.ge [sflag:s5], $0x80  }
0x1b3: {  	[sflag:s5] =	ssyncset.done $0x0  }
0x1b4: {  	[sflag:s5] =	ssyncadd.s32 $0xFFFFFF80  }
0x1b5: {  	[hbm:s25], [sflag:s7] =	dma.local [spmem:s6], $0x2000  }
0x1b6: {  	_ =	swait.ge [sflag:s14], $0x2000  }
0x1b7: {  	[sflag:s14] =	ssyncset.done $0x0  }
0x1b8: {  	[sflag:s14] =	ssyncadd.s32 $0xFFFFE000  }
0x1b9: {  	[spmem:s8], [sflag:s9] =	dma.local [hbm:s26], $0x1F80  }
0x1ba: {  	[spmem:s10], [sflag:s9] =	dma.local [hbm:s28], $0x80  }
0x1bb: {  	_ =	swait.ge [sflag:s11], $0x1F80  }
0x1bc: {  	[sflag:s11] =	ssyncset.done $0x0  }
0x1bd: {  	[sflag:s11] =	ssyncadd.s32 $0xFFFFE080  }
0x1be: {  	_ =	swait.ge [sflag:s11], $0x80  }
0x1bf: {  	[sflag:s11] =	ssyncset.done $0x0  }
0x1c0: {  	p0 =	sne.s32 s30, $0x1;
	[sflag:s11] =	ssyncadd.s32 $0xFFFFFF80  }
0x1c1: {  	[hbm:s29], [sflag:s13] =	dma.local [spmem:s10], $0x2000  }
.Ltmp1:
0x1c2: {  	_ =	swait.ge [sflag:s12], $0x2000;
	(pc) =	sbr.rel @p0 .LBB2_1-.Ltmp1, $4  }
0x1c3: {  	[sflag:s12] =	ssyncset.done $0x0  }
0x1c4: {  	[sflag:s12] =	ssyncadd.s32 $0xFFFFE000  }
0x1c5: {  	_ =	swait.ge [sflag:s14], $0x2000  }
0x1c6: {  	s30 =	sadd.s32 $0xFFFFFFFF, s30;
	[sflag:s14] =	ssyncset.done $0x0  }
.LBB2_2:
0x1c7: {  	[sflag:s14] =	ssyncadd.s32 $0xFFFFE000  }
0x1c8: {  	_ =	sfence.sel $0x180000  }
0x1c9: {  	[bflag:$0x0] =	sbarrier.arrive $0xFFFF  }
0x1ca: {  	p0 =	sne.s32 s0, $0x0;
	_ =	strace $0x90000047  }
0x1cb: {  	s0 =	sadd.s32 @!p0 $0x100000, s1;
	[bflag:$0x2] =	sbarrier.arrive $0xFFFF  }
0x1cc: {  	[sflag:s0] =	ssyncadd.tile.s32 @!p0 $0x1;
	_ =	shalt  }
.Lfunc_end2:
_tile_overlayer_lowered:
.L_overlay_start_2:
0x1cd: {  	(tag) =	ssettag $0x2  }
0x1ce: {  	s0 =	rddreg [dreg:$0x0];
	s2 =	stileid.u32  }
0x1cf: {  	s1 =	rddreg [dreg:$0x1];
	p0 =	sne.s32 s2, $0x0  }
0x1d0: {  	s3 =	rddreg [dreg:$0x2];
	[bflag:$0x3] =	sbarrier.arrive $0xFFFF;
	s2 =	simm.s32 @!p0 $0x1C05  }
0x1d1: {  	[timem:s3], [sflag:s2] =	dma.local @!p0 [hbm:s0], s1  }
0x1d2: {  	s0 =	simm.s32 @!p0 $0x5  }
0x1d3: {  	_ =	swait.ge @!p0 [sflag:s0], s1  }
0x1d4: {  	s1 =	ssub.s32 @!p0 $0x0, s1;
	[sflag:s0] =	ssyncset.done @!p0 $0x0  }
0x1d5: {  	[sflag:s0] =	ssyncadd.s32 @!p0 s1  }
0x1d6: {  	[bflag:$0x3] =	sbarrier.arrive $0xFFFF  }
0x1d7: {  	_ =	shalt  }

</sc_bundles>
